<compile_context>
chip_gen: v7x
topology: tpu7x:2x2x1
jax: 0.10.2.dev20260603
libtpu: 0.0.44.dev20260713+nightly
codegen_flags: <defaults>
</compile_context>

<pallas_src>
import functools

import jax
import jax.numpy as jnp
from jax import lax
from jax.experimental import pallas as pl
from jax.experimental.pallas import tpu as pltpu
from jax.experimental.pallas import tpu_sc as plsc

_NC = 2
_NS = 16
_NW = _NC * _NS
_L = 16

_SC_COLS = 128
_TC_COL_BLK = 128


def _sc_body(rows_w, rows_c, x_hbm, w_hbm, out_hbm, tbl_v, i0, i1, o0, o1, si0, si1, so0, so1):
    wid = lax.axis_index("s") * _NC + lax.axis_index("c")
    base = wid * rows_w
    pltpu.sync_copy(w_hbm, tbl_v)

    idx = (i0, i1)
    out = (o0, o1)
    sin = (si0, si1)
    sout = (so0, so1)
    n = rows_w // rows_c
    in_h = [None] * n
    out_h = [None] * n

    def rbof(c):
        return pl.multiple_of(base + c * rows_c, 8)

    def start_in(c):
        h = pltpu.make_async_copy(
            x_hbm.at[pl.ds(rbof(c), rows_c), pl.ds(0, _SC_COLS)],
            idx[c % 2],
            sin[c % 2],
        )
        h.start()
        in_h[c] = h

    def start_out(c):
        h = pltpu.make_async_copy(
            out[c % 2],
            out_hbm.at[pl.ds(rbof(c), rows_c), pl.ds(0, _SC_COLS)],
            sout[c % 2],
        )
        h.start()
        out_h[c] = h

    start_in(0)
    for c in range(n):
        bi = c % 2
        if c + 1 < n:
            start_in(c + 1)
        in_h[c].wait()
        if c >= 2:
            out_h[c - 2].wait()

        @plsc.parallel_loop(0, rows_c, 1, unroll=4)
        def row_step(r, _iv=idx[bi], _ov=out[bi]):
            irow = _iv.at[r]
            orow = _ov.at[r]
            for o in range(0, _SC_COLS, _L):
                orow[pl.ds(o, _L)] = plsc.load_gather(tbl_v, [irow[pl.ds(o, _L)]])

        start_out(c)
    out_h[n - 2].wait()
    out_h[n - 1].wait()


def _tc_body(x_ref, w_ref, part_ref, out_ref):
    del part_ref
    xv = x_ref[...]
    w1 = w_ref[1, 0]
    w2 = w_ref[2, 0]
    w3 = w_ref[3, 0]
    w4 = w_ref[4, 0]
    out_ref[...] = jnp.where(
        xv == 1,
        w1,
        jnp.where(xv == 2, w2, jnp.where(xv == 3, w3, jnp.where(xv == 4, w4, 0.0))),
    )


@functools.partial(jax.jit, static_argnames=("rows", "cols"))
def _lookup(x, weight, w_pad, rows, cols):
    rows_w = rows // _NW
    rows_c = 128
    sc_fn = pl.kernel(
        functools.partial(_sc_body, rows_w, rows_c),
        out_type=jax.ShapeDtypeStruct((rows, cols), jnp.float32),
        mesh=plsc.VectorSubcoreMesh(core_axis_name="c", subcore_axis_name="s"),
        compiler_params=pltpu.CompilerParams(
            needs_layout_passes=False, use_tc_tiling_on_sc=True
        ),
        scratch_types=[
            pltpu.VMEM((_L,), jnp.float32),
            pltpu.VMEM((rows_c, _SC_COLS), jnp.int32),
            pltpu.VMEM((rows_c, _SC_COLS), jnp.int32),
            pltpu.VMEM((rows_c, _SC_COLS), jnp.float32),
            pltpu.VMEM((rows_c, _SC_COLS), jnp.float32),
            pltpu.SemaphoreType.DMA,
            pltpu.SemaphoreType.DMA,
            pltpu.SemaphoreType.DMA,
            pltpu.SemaphoreType.DMA,
        ],
    )
    part = sc_fn(x, w_pad)

    rt = 4096
    tc_fn = pl.pallas_call(
        _tc_body,
        grid=(rows // rt,),
        in_specs=[
            pl.BlockSpec((rt, _TC_COL_BLK), lambda r: (r, 1)),
            pl.BlockSpec((weight.shape[0], 1), lambda r: (0, 0)),
            pl.BlockSpec(memory_space=pl.ANY),
        ],
        out_specs=pl.BlockSpec((rt, _TC_COL_BLK), lambda r: (r, 1)),
        out_shape=jax.ShapeDtypeStruct((rows, cols), jnp.float32),
        input_output_aliases={2: 0},
    )
    return tc_fn(x, weight, part)


def kernel(x, weight):
    b, s = x.shape
    w_pad = jnp.zeros((_L,), jnp.float32).at[: weight.shape[0]].set(
        weight.reshape(-1).astype(jnp.float32)
    )
    out = _lookup(x.astype(jnp.int32), weight.astype(jnp.float32), w_pad, b, s)
    return out.reshape(b, s, 1)

# --- scband reference (transcript-rebuilt; emitter-appended) ---
"""Pipeline reference for scband-my-model-61933428409178 (READ-ONLY COPY).

The authoritative reference and input builder live on the scoring server;
editing this copy changes nothing except your own understanding.
"""

import jax, jax.numpy as jnp
import numpy as np


def setup_inputs(seed: int = 0) -> dict:
    key = jax.random.key(seed)
    k1, k2 = jax.random.split(key)
    # forward input: indices into the 5-row embedding table
    x = jax.random.randint(k1, (16384, 200), 0, 5)
    # learned parameter: nn.Embedding(5, 1, padding_idx=0) weight.
    # padding row (index 0) is initialized to zero, matching PyTorch.
    weight = jax.random.normal(k2, (5, 1), dtype=jnp.float32)
    weight = weight.at[0].set(0.0)
    return {"x": x, "weight": weight}


def reference(x, weight):
    # nn.Embedding forward == row gather from the weight table
    return jnp.take(weight, x, axis=0)

if __name__ == "__main__":
    import jax
    _d = setup_inputs()
    print(jax.jit(kernel)(*tuple(_d.values())))

</pallas_src>

<mosaic_0001>
#map = affine_map<(d0, d1) -> (0, 0)>
#map1 = affine_map<(d0, d1) -> (0)>
module attributes {stable_mosaic.version = 14 : i64} {
  func.func @_sc_body(%arg0: i32, %arg1: i32, %arg2: memref<16384x200xi32, #tpu.memory_space<hbm>>, %arg3: memref<16xf32, #tpu.memory_space<hbm>>, %arg4: memref<16384x200xf32, #tpu.memory_space<hbm>>, %arg5: memref<16xf32, #tpu.memory_space<vmem>>, %arg6: memref<128x128xi32, #tpu.memory_space<vmem>>, %arg7: memref<128x128xi32, #tpu.memory_space<vmem>>, %arg8: memref<128x128xf32, #tpu.memory_space<vmem>>, %arg9: memref<128x128xf32, #tpu.memory_space<vmem>>, %arg10: memref<!tpu.dma_semaphore, #tpu.memory_space<semaphore_mem>>, %arg11: memref<!tpu.dma_semaphore, #tpu.memory_space<semaphore_mem>>, %arg12: memref<!tpu.dma_semaphore, #tpu.memory_space<semaphore_mem>>, %arg13: memref<!tpu.dma_semaphore, #tpu.memory_space<semaphore_mem>>) attributes {dimension_semantics = [#tpu.dimension_semantics<core_parallel>, #tpu.dimension_semantics<subcore_parallel>], iteration_bounds = array<i64: 2, 16>, scalar_prefetch = 0 : i64, scratch_operands = 9 : i64, tpu.core_type = #tpu.core_type<sc_vector_subcore>, window_params = [{transform_indices = #map}, {transform_indices = #map1}, {transform_indices = #map}]} {
    %mul3A = arith.constant 2 : i32
    %mul3A_0 = arith.muli %arg1, %mul3A : i32
    %add3A = arith.addi %mul3A_0, %arg0 : i32
    %mul3A_1 = arith.constant 512 : i32
    %mul3A_2 = arith.muli %add3A, %mul3A_1 : i32
    "tpu.region"() ({
      %run_scoped3A = tpu.sem_alloc : memref<!tpu.dma_semaphore, #tpu.memory_space<semaphore_mem>>
      tpu.enqueue_dma source(%arg3 : memref<16xf32, #tpu.memory_space<hbm>>) target(%arg5 : memref<16xf32, #tpu.memory_space<vmem>>) target_semaphore(%run_scoped3A : memref<!tpu.dma_semaphore, #tpu.memory_space<semaphore_mem>>)
      tpu.wait_dma2 semaphore(%run_scoped3A : memref<!tpu.dma_semaphore, #tpu.memory_space<semaphore_mem>>) src(%arg3 : memref<16xf32, #tpu.memory_space<hbm>>) dst(%arg5 : memref<16xf32, #tpu.memory_space<vmem>>)
      tpu.yield
    }) : () -> ()
    %add3A_3 = arith.constant 0 : i32
    %add3A_4 = arith.addi %mul3A_2, %add3A_3 : i32
    %multiple_of3A = tpu.assume_multiple %add3A_4, 8 : i32
    %dma_start3A = arith.constant 0 : i32
    %dma_start3A_5 = tpu.memref_slice %arg2[%multiple_of3A, %dma_start3A] : memref<16384x200xi32, #tpu.memory_space<hbm>> -> memref<128x128xi32, #tpu.memory_space<hbm>>
    %dma_start3A_6 = arith.constant 0 : i32
    %dma_start3A_7 = tpu.memref_slice %arg2[%multiple_of3A, %dma_start3A_6] : memref<16384x200xi32, #tpu.memory_space<hbm>> -> memref<128x128xi32, #tpu.memory_space<hbm>>
    tpu.enqueue_dma source(%dma_start3A_7 : memref<128x128xi32, #tpu.memory_space<hbm>>) target(%arg6 : memref<128x128xi32, #tpu.memory_space<vmem>>) target_semaphore(%arg10 : memref<!tpu.dma_semaphore, #tpu.memory_space<semaphore_mem>>)
    %add3A_8 = arith.constant 128 : i32
    %add3A_9 = arith.addi %mul3A_2, %add3A_8 : i32
    %multiple_of3A_10 = tpu.assume_multiple %add3A_9, 8 : i32
    %dma_start3A_11 = arith.constant 0 : i32
    %dma_start3A_12 = tpu.memref_slice %arg2[%multiple_of3A_10, %dma_start3A_11] : memref<16384x200xi32, #tpu.memory_space<hbm>> -> memref<128x128xi32, #tpu.memory_space<hbm>>
    %dma_start3A_13 = arith.constant 0 : i32
    %dma_start3A_14 = tpu.memref_slice %arg2[%multiple_of3A_10, %dma_start3A_13] : memref<16384x200xi32, #tpu.memory_space<hbm>> -> memref<128x128xi32, #tpu.memory_space<hbm>>
    tpu.enqueue_dma source(%dma_start3A_14 : memref<128x128xi32, #tpu.memory_space<hbm>>) target(%arg7 : memref<128x128xi32, #tpu.memory_space<vmem>>) target_semaphore(%arg11 : memref<!tpu.dma_semaphore, #tpu.memory_space<semaphore_mem>>)
    %dma_wait3A = arith.constant 0 : i32
    %dma_wait3A_15 = tpu.memref_slice %arg2[%multiple_of3A, %dma_wait3A] : memref<16384x200xi32, #tpu.memory_space<hbm>> -> memref<128x128xi32, #tpu.memory_space<hbm>>
    %dma_wait3A_16 = arith.constant 0 : i32
    %dma_wait3A_17 = tpu.memref_slice %arg2[%multiple_of3A, %dma_wait3A_16] : memref<16384x200xi32, #tpu.memory_space<hbm>> -> memref<128x128xi32, #tpu.memory_space<hbm>>
    tpu.wait_dma2 semaphore(%arg10 : memref<!tpu.dma_semaphore, #tpu.memory_space<semaphore_mem>>) src(%dma_wait3A_17 : memref<128x128xi32, #tpu.memory_space<hbm>>) dst(%arg6 : memref<128x128xi32, #tpu.memory_space<vmem>>)
    %parallel_loop3A = arith.constant 0 : i32
    %parallel_loop3A_18 = arith.constant 128 : i32
    %parallel_loop3A_19 = arith.constant 1 : i32
    scf.for %parallel_loop3A_99 = %parallel_loop3A to %parallel_loop3A_18 step %parallel_loop3A_19  : i32 {
      %parallel_loop3A_100 = arith.constant 0 : i32
      %parallel_loop3A_101 = tpu.memref_slice %arg6[%parallel_loop3A_99, %parallel_loop3A_100] : memref<128x128xi32, #tpu.memory_space<vmem>> -> memref<1x128xi32, #tpu.memory_space<vmem>>
      %parallel_loop3A_102 = tpu.memref_squeeze %parallel_loop3A_101 : memref<1x128xi32, #tpu.memory_space<vmem>> -> memref<128xi32, #tpu.memory_space<vmem>>
      %parallel_loop3A_103 = arith.constant 0 : index
      %parallel_loop3A_104 = tpu.vector_load %parallel_loop3A_102[%parallel_loop3A_103] {strides = array<i32>} : memref<128xi32, #tpu.memory_space<vmem>>, vector<16xi32>,
      %parallel_loop3A_105 = tpu.vector_load_idx %arg5[%parallel_loop3A_104] : memref<16xf32, #tpu.memory_space<vmem>>[vector<16xi32>], vector<16xf32>,
      %parallel_loop3A_106 = arith.constant 0 : i32
      %parallel_loop3A_107 = tpu.memref_slice %arg8[%parallel_loop3A_99, %parallel_loop3A_106] : memref<128x128xf32, #tpu.memory_space<vmem>> -> memref<1x128xf32, #tpu.memory_space<vmem>>
      %parallel_loop3A_108 = tpu.memref_squeeze %parallel_loop3A_107 : memref<1x128xf32, #tpu.memory_space<vmem>> -> memref<128xf32, #tpu.memory_space<vmem>>
      %parallel_loop3A_109 = arith.constant 0 : index
      %parallel_loop3A_110 = tpu.vector_load %parallel_loop3A_108[%parallel_loop3A_109] {strides = array<i32>} : memref<128xf32, #tpu.memory_space<vmem>>, vector<16xf32>,
      tpu.vector_store %parallel_loop3A_108[%parallel_loop3A_109], %parallel_loop3A_105 {strides = array<i32>} : memref<128xf32, #tpu.memory_space<vmem>>, vector<16xf32>,
      %parallel_loop3A_111 = arith.constant 0 : i32
      %parallel_loop3A_112 = tpu.memref_slice %arg6[%parallel_loop3A_99, %parallel_loop3A_111] : memref<128x128xi32, #tpu.memory_space<vmem>> -> memref<1x128xi32, #tpu.memory_space<vmem>>
      %parallel_loop3A_113 = tpu.memref_squeeze %parallel_loop3A_112 : memref<1x128xi32, #tpu.memory_space<vmem>> -> memref<128xi32, #tpu.memory_space<vmem>>
      %parallel_loop3A_114 = arith.constant 16 : index
      %parallel_loop3A_115 = tpu.vector_load %parallel_loop3A_113[%parallel_loop3A_114] {strides = array<i32>} : memref<128xi32, #tpu.memory_space<vmem>>, vector<16xi32>,
      %parallel_loop3A_116 = tpu.vector_load_idx %arg5[%parallel_loop3A_115] : memref<16xf32, #tpu.memory_space<vmem>>[vector<16xi32>], vector<16xf32>,
      %parallel_loop3A_117 = arith.constant 0 : i32
      %parallel_loop3A_118 = tpu.memref_slice %arg8[%parallel_loop3A_99, %parallel_loop3A_117] : memref<128x128xf32, #tpu.memory_space<vmem>> -> memref<1x128xf32, #tpu.memory_space<vmem>>
      %parallel_loop3A_119 = tpu.memref_squeeze %parallel_loop3A_118 : memref<1x128xf32, #tpu.memory_space<vmem>> -> memref<128xf32, #tpu.memory_space<vmem>>
      %parallel_loop3A_120 = arith.constant 16 : index
      %parallel_loop3A_121 = tpu.vector_load %parallel_loop3A_119[%parallel_loop3A_120] {strides = array<i32>} : memref<128xf32, #tpu.memory_space<vmem>>, vector<16xf32>,
      tpu.vector_store %parallel_loop3A_119[%parallel_loop3A_120], %parallel_loop3A_116 {strides = array<i32>} : memref<128xf32, #tpu.memory_space<vmem>>, vector<16xf32>,
      %parallel_loop3A_122 = arith.constant 0 : i32
      %parallel_loop3A_123 = tpu.memref_slice %arg6[%parallel_loop3A_99, %parallel_loop3A_122] : memref<128x128xi32, #tpu.memory_space<vmem>> -> memref<1x128xi32, #tpu.memory_space<vmem>>
      %parallel_loop3A_124 = tpu.memref_squeeze %parallel_loop3A_123 : memref<1x128xi32, #tpu.memory_space<vmem>> -> memref<128xi32, #tpu.memory_space<vmem>>
      %parallel_loop3A_125 = arith.constant 32 : index
      %parallel_loop3A_126 = tpu.vector_load %parallel_loop3A_124[%parallel_loop3A_125] {strides = array<i32>} : memref<128xi32, #tpu.memory_space<vmem>>, vector<16xi32>,
      %parallel_loop3A_127 = tpu.vector_load_idx %arg5[%parallel_loop3A_126] : memref<16xf32, #tpu.memory_space<vmem>>[vector<16xi32>], vector<16xf32>,
      %parallel_loop3A_128 = arith.constant 0 : i32
      %parallel_loop3A_129 = tpu.memref_slice %arg8[%parallel_loop3A_99, %parallel_loop3A_128] : memref<128x128xf32, #tpu.memory_space<vmem>> -> memref<1x128xf32, #tpu.memory_space<vmem>>
      %parallel_loop3A_130 = tpu.memref_squeeze %parallel_loop3A_129 : memref<1x128xf32, #tpu.memory_space<vmem>> -> memref<128xf32, #tpu.memory_space<vmem>>
      %parallel_loop3A_131 = arith.constant 32 : index
      %parallel_loop3A_132 = tpu.vector_load %parallel_loop3A_130[%parallel_loop3A_131] {strides = array<i32>} : memref<128xf32, #tpu.memory_space<vmem>>, vector<16xf32>,
      tpu.vector_store %parallel_loop3A_130[%parallel_loop3A_131], %parallel_loop3A_127 {strides = array<i32>} : memref<128xf32, #tpu.memory_space<vmem>>, vector<16xf32>,
      %parallel_loop3A_133 = arith.constant 0 : i32
      %parallel_loop3A_134 = tpu.memref_slice %arg6[%parallel_loop3A_99, %parallel_loop3A_133] : memref<128x128xi32, #tpu.memory_space<vmem>> -> memref<1x128xi32, #tpu.memory_space<vmem>>
      %parallel_loop3A_135 = tpu.memref_squeeze %parallel_loop3A_134 : memref<1x128xi32, #tpu.memory_space<vmem>> -> memref<128xi32, #tpu.memory_space<vmem>>
      %parallel_loop3A_136 = arith.constant 48 : index
      %parallel_loop3A_137 = tpu.vector_load %parallel_loop3A_135[%parallel_loop3A_136] {strides = array<i32>} : memref<128xi32, #tpu.memory_space<vmem>>, vector<16xi32>,
      %parallel_loop3A_138 = tpu.vector_load_idx %arg5[%parallel_loop3A_137] : memref<16xf32, #tpu.memory_space<vmem>>[vector<16xi32>], vector<16xf32>,
      %parallel_loop3A_139 = arith.constant 0 : i32
      %parallel_loop3A_140 = tpu.memref_slice %arg8[%parallel_loop3A_99, %parallel_loop3A_139] : memref<128x128xf32, #tpu.memory_space<vmem>> -> memref<1x128xf32, #tpu.memory_space<vmem>>
      %parallel_loop3A_141 = tpu.memref_squeeze %parallel_loop3A_140 : memref<1x128xf32, #tpu.memory_space<vmem>> -> memref<128xf32, #tpu.memory_space<vmem>>
      %parallel_loop3A_142 = arith.constant 48 : index
      %parallel_loop3A_143 = tpu.vector_load %parallel_loop3A_141[%parallel_loop3A_142] {strides = array<i32>} : memref<128xf32, #tpu.memory_space<vmem>>, vector<16xf32>,
      tpu.vector_store %parallel_loop3A_141[%parallel_loop3A_142], %parallel_loop3A_138 {strides = array<i32>} : memref<128xf32, #tpu.memory_space<vmem>>, vector<16xf32>,
      %parallel_loop3A_144 = arith.constant 0 : i32
      %parallel_loop3A_145 = tpu.memref_slice %arg6[%parallel_loop3A_99, %parallel_loop3A_144] : memref<128x128xi32, #tpu.memory_space<vmem>> -> memref<1x128xi32, #tpu.memory_space<vmem>>
      %parallel_loop3A_146 = tpu.memref_squeeze %parallel_loop3A_145 : memref<1x128xi32, #tpu.memory_space<vmem>> -> memref<128xi32, #tpu.memory_space<vmem>>
      %parallel_loop3A_147 = arith.constant 64 : index
      %parallel_loop3A_148 = tpu.vector_load %parallel_loop3A_146[%parallel_loop3A_147] {strides = array<i32>} : memref<128xi32, #tpu.memory_space<vmem>>, vector<16xi32>,
      %parallel_loop3A_149 = tpu.vector_load_idx %arg5[%parallel_loop3A_148] : memref<16xf32, #tpu.memory_space<vmem>>[vector<16xi32>], vector<16xf32>,
      %parallel_loop3A_150 = arith.constant 0 : i32
      %parallel_loop3A_151 = tpu.memref_slice %arg8[%parallel_loop3A_99, %parallel_loop3A_150] : memref<128x128xf32, #tpu.memory_space<vmem>> -> memref<1x128xf32, #tpu.memory_space<vmem>>
      %parallel_loop3A_152 = tpu.memref_squeeze %parallel_loop3A_151 : memref<1x128xf32, #tpu.memory_space<vmem>> -> memref<128xf32, #tpu.memory_space<vmem>>
      %parallel_loop3A_153 = arith.constant 64 : index
      %parallel_loop3A_154 = tpu.vector_load %parallel_loop3A_152[%parallel_loop3A_153] {strides = array<i32>} : memref<128xf32, #tpu.memory_space<vmem>>, vector<16xf32>,
      tpu.vector_store %parallel_loop3A_152[%parallel_loop3A_153], %parallel_loop3A_149 {strides = array<i32>} : memref<128xf32, #tpu.memory_space<vmem>>, vector<16xf32>,
      %parallel_loop3A_155 = arith.constant 0 : i32
      %parallel_loop3A_156 = tpu.memref_slice %arg6[%parallel_loop3A_99, %parallel_loop3A_155] : memref<128x128xi32, #tpu.memory_space<vmem>> -> memref<1x128xi32, #tpu.memory_space<vmem>>
      %parallel_loop3A_157 = tpu.memref_squeeze %parallel_loop3A_156 : memref<1x128xi32, #tpu.memory_space<vmem>> -> memref<128xi32, #tpu.memory_space<vmem>>
      %parallel_loop3A_158 = arith.constant 80 : index
      %parallel_loop3A_159 = tpu.vector_load %parallel_loop3A_157[%parallel_loop3A_158] {strides = array<i32>} : memref<128xi32, #tpu.memory_space<vmem>>, vector<16xi32>,
      %parallel_loop3A_160 = tpu.vector_load_idx %arg5[%parallel_loop3A_159] : memref<16xf32, #tpu.memory_space<vmem>>[vector<16xi32>], vector<16xf32>,
      %parallel_loop3A_161 = arith.constant 0 : i32
      %parallel_loop3A_162 = tpu.memref_slice %arg8[%parallel_loop3A_99, %parallel_loop3A_161] : memref<128x128xf32, #tpu.memory_space<vmem>> -> memref<1x128xf32, #tpu.memory_space<vmem>>
      %parallel_loop3A_163 = tpu.memref_squeeze %parallel_loop3A_162 : memref<1x128xf32, #tpu.memory_space<vmem>> -> memref<128xf32, #tpu.memory_space<vmem>>
      %parallel_loop3A_164 = arith.constant 80 : index
      %parallel_loop3A_165 = tpu.vector_load %parallel_loop3A_163[%parallel_loop3A_164] {strides = array<i32>} : memref<128xf32, #tpu.memory_space<vmem>>, vector<16xf32>,
      tpu.vector_store %parallel_loop3A_163[%parallel_loop3A_164], %parallel_loop3A_160 {strides = array<i32>} : memref<128xf32, #tpu.memory_space<vmem>>, vector<16xf32>,
      %parallel_loop3A_166 = arith.constant 0 : i32
      %parallel_loop3A_167 = tpu.memref_slice %arg6[%parallel_loop3A_99, %parallel_loop3A_166] : memref<128x128xi32, #tpu.memory_space<vmem>> -> memref<1x128xi32, #tpu.memory_space<vmem>>
      %parallel_loop3A_168 = tpu.memref_squeeze %parallel_loop3A_167 : memref<1x128xi32, #tpu.memory_space<vmem>> -> memref<128xi32, #tpu.memory_space<vmem>>
      %parallel_loop3A_169 = arith.constant 96 : index
      %parallel_loop3A_170 = tpu.vector_load %parallel_loop3A_168[%parallel_loop3A_169] {strides = array<i32>} : memref<128xi32, #tpu.memory_space<vmem>>, vector<16xi32>,
      %parallel_loop3A_171 = tpu.vector_load_idx %arg5[%parallel_loop3A_170] : memref<16xf32, #tpu.memory_space<vmem>>[vector<16xi32>], vector<16xf32>,
      %parallel_loop3A_172 = arith.constant 0 : i32
      %parallel_loop3A_173 = tpu.memref_slice %arg8[%parallel_loop3A_99, %parallel_loop3A_172] : memref<128x128xf32, #tpu.memory_space<vmem>> -> memref<1x128xf32, #tpu.memory_space<vmem>>
      %parallel_loop3A_174 = tpu.memref_squeeze %parallel_loop3A_173 : memref<1x128xf32, #tpu.memory_space<vmem>> -> memref<128xf32, #tpu.memory_space<vmem>>
      %parallel_loop3A_175 = arith.constant 96 : index
      %parallel_loop3A_176 = tpu.vector_load %parallel_loop3A_174[%parallel_loop3A_175] {strides = array<i32>} : memref<128xf32, #tpu.memory_space<vmem>>, vector<16xf32>,
      tpu.vector_store %parallel_loop3A_174[%parallel_loop3A_175], %parallel_loop3A_171 {strides = array<i32>} : memref<128xf32, #tpu.memory_space<vmem>>, vector<16xf32>,
      %parallel_loop3A_177 = arith.constant 0 : i32
      %parallel_loop3A_178 = tpu.memref_slice %arg6[%parallel_loop3A_99, %parallel_loop3A_177] : memref<128x128xi32, #tpu.memory_space<vmem>> -> memref<1x128xi32, #tpu.memory_space<vmem>>
      %parallel_loop3A_179 = tpu.memref_squeeze %parallel_loop3A_178 : memref<1x128xi32, #tpu.memory_space<vmem>> -> memref<128xi32, #tpu.memory_space<vmem>>
      %parallel_loop3A_180 = arith.constant 112 : index
      %parallel_loop3A_181 = tpu.vector_load %parallel_loop3A_179[%parallel_loop3A_180] {strides = array<i32>} : memref<128xi32, #tpu.memory_space<vmem>>, vector<16xi32>,
      %parallel_loop3A_182 = tpu.vector_load_idx %arg5[%parallel_loop3A_181] : memref<16xf32, #tpu.memory_space<vmem>>[vector<16xi32>], vector<16xf32>,
      %parallel_loop3A_183 = arith.constant 0 : i32
      %parallel_loop3A_184 = tpu.memref_slice %arg8[%parallel_loop3A_99, %parallel_loop3A_183] : memref<128x128xf32, #tpu.memory_space<vmem>> -> memref<1x128xf32, #tpu.memory_space<vmem>>
      %parallel_loop3A_185 = tpu.memref_squeeze %parallel_loop3A_184 : memref<1x128xf32, #tpu.memory_space<vmem>> -> memref<128xf32, #tpu.memory_space<vmem>>
      %parallel_loop3A_186 = arith.constant 112 : index
      %parallel_loop3A_187 = tpu.vector_load %parallel_loop3A_185[%parallel_loop3A_186] {strides = array<i32>} : memref<128xf32, #tpu.memory_space<vmem>>, vector<16xf32>,
      tpu.vector_store %parallel_loop3A_185[%parallel_loop3A_186], %parallel_loop3A_182 {strides = array<i32>} : memref<128xf32, #tpu.memory_space<vmem>>, vector<16xf32>,
    } {sc.loop_unroll_factor = 4 : i64, sc.parallel_access}
    %add3A_20 = arith.constant 0 : i32
    %add3A_21 = arith.addi %mul3A_2, %add3A_20 : i32
    %multiple_of3A_22 = tpu.assume_multiple %add3A_21, 8 : i32
    %dma_start3A_23 = arith.constant 0 : i32
    %dma_start3A_24 = tpu.memref_slice %arg4[%multiple_of3A_22, %dma_start3A_23] : memref<16384x200xf32, #tpu.memory_space<hbm>> -> memref<128x128xf32, #tpu.memory_space<hbm>>
    %dma_start3A_25 = arith.constant 0 : i32
    %dma_start3A_26 = tpu.memref_slice %arg4[%multiple_of3A_22, %dma_start3A_25] : memref<16384x200xf32, #tpu.memory_space<hbm>> -> memref<128x128xf32, #tpu.memory_space<hbm>>
    tpu.enqueue_dma source(%arg8 : memref<128x128xf32, #tpu.memory_space<vmem>>) target(%dma_start3A_26 : memref<128x128xf32, #tpu.memory_space<hbm>>) target_semaphore(%arg12 : memref<!tpu.dma_semaphore, #tpu.memory_space<semaphore_mem>>)
    %add3A_27 = arith.constant 256 : i32
    %add3A_28 = arith.addi %mul3A_2, %add3A_27 : i32
    %multiple_of3A_29 = tpu.assume_multiple %add3A_28, 8 : i32
    %dma_start3A_30 = arith.constant 0 : i32
    %dma_start3A_31 = tpu.memref_slice %arg2[%multiple_of3A_29, %dma_start3A_30] : memref<16384x200xi32, #tpu.memory_space<hbm>> -> memref<128x128xi32, #tpu.memory_space<hbm>>
    %dma_start3A_32 = arith.constant 0 : i32
    %dma_start3A_33 = tpu.memref_slice %arg2[%multiple_of3A_29, %dma_start3A_32] : memref<16384x200xi32, #tpu.memory_space<hbm>> -> memref<128x128xi32, #tpu.memory_space<hbm>>
    tpu.enqueue_dma source(%dma_start3A_33 : memref<128x128xi32, #tpu.memory_space<hbm>>) target(%arg6 : memref<128x128xi32, #tpu.memory_space<vmem>>) target_semaphore(%arg10 : memref<!tpu.dma_semaphore, #tpu.memory_space<semaphore_mem>>)
    %dma_wait3A_34 = arith.constant 0 : i32
    %dma_wait3A_35 = tpu.memref_slice %arg2[%multiple_of3A_10, %dma_wait3A_34] : memref<16384x200xi32, #tpu.memory_space<hbm>> -> memref<128x128xi32, #tpu.memory_space<hbm>>
    %dma_wait3A_36 = arith.constant 0 : i32
    %dma_wait3A_37 = tpu.memref_slice %arg2[%multiple_of3A_10, %dma_wait3A_36] : memref<16384x200xi32, #tpu.memory_space<hbm>> -> memref<128x128xi32, #tpu.memory_space<hbm>>
    tpu.wait_dma2 semaphore(%arg11 : memref<!tpu.dma_semaphore, #tpu.memory_space<semaphore_mem>>) src(%dma_wait3A_37 : memref<128x128xi32, #tpu.memory_space<hbm>>) dst(%arg7 : memref<128x128xi32, #tpu.memory_space<vmem>>)
    %parallel_loop3A_38 = arith.constant 0 : i32
    %parallel_loop3A_39 = arith.constant 128 : i32
    %parallel_loop3A_40 = arith.constant 1 : i32
    scf.for %parallel_loop3A_99 = %parallel_loop3A_38 to %parallel_loop3A_39 step %parallel_loop3A_40  : i32 {
      %parallel_loop3A_100 = arith.constant 0 : i32
      %parallel_loop3A_101 = tpu.memref_slice %arg7[%parallel_loop3A_99, %parallel_loop3A_100] : memref<128x128xi32, #tpu.memory_space<vmem>> -> memref<1x128xi32, #tpu.memory_space<vmem>>
      %parallel_loop3A_102 = tpu.memref_squeeze %parallel_loop3A_101 : memref<1x128xi32, #tpu.memory_space<vmem>> -> memref<128xi32, #tpu.memory_space<vmem>>
      %parallel_loop3A_103 = arith.constant 0 : index
      %parallel_loop3A_104 = tpu.vector_load %parallel_loop3A_102[%parallel_loop3A_103] {strides = array<i32>} : memref<128xi32, #tpu.memory_space<vmem>>, vector<16xi32>,
      %parallel_loop3A_105 = tpu.vector_load_idx %arg5[%parallel_loop3A_104] : memref<16xf32, #tpu.memory_space<vmem>>[vector<16xi32>], vector<16xf32>,
      %parallel_loop3A_106 = arith.constant 0 : i32
      %parallel_loop3A_107 = tpu.memref_slice %arg9[%parallel_loop3A_99, %parallel_loop3A_106] : memref<128x128xf32, #tpu.memory_space<vmem>> -> memref<1x128xf32, #tpu.memory_space<vmem>>
      %parallel_loop3A_108 = tpu.memref_squeeze %parallel_loop3A_107 : memref<1x128xf32, #tpu.memory_space<vmem>> -> memref<128xf32, #tpu.memory_space<vmem>>
      %parallel_loop3A_109 = arith.constant 0 : index
      %parallel_loop3A_110 = tpu.vector_load %parallel_loop3A_108[%parallel_loop3A_109] {strides = array<i32>} : memref<128xf32, #tpu.memory_space<vmem>>, vector<16xf32>,
      tpu.vector_store %parallel_loop3A_108[%parallel_loop3A_109], %parallel_loop3A_105 {strides = array<i32>} : memref<128xf32, #tpu.memory_space<vmem>>, vector<16xf32>,
      %parallel_loop3A_111 = arith.constant 0 : i32
      %parallel_loop3A_112 = tpu.memref_slice %arg7[%parallel_loop3A_99, %parallel_loop3A_111] : memref<128x128xi32, #tpu.memory_space<vmem>> -> memref<1x128xi32, #tpu.memory_space<vmem>>
      %parallel_loop3A_113 = tpu.memref_squeeze %parallel_loop3A_112 : memref<1x128xi32, #tpu.memory_space<vmem>> -> memref<128xi32, #tpu.memory_space<vmem>>
      %parallel_loop3A_114 = arith.constant 16 : index
      %parallel_loop3A_115 = tpu.vector_load %parallel_loop3A_113[%parallel_loop3A_114] {strides = array<i32>} : memref<128xi32, #tpu.memory_space<vmem>>, vector<16xi32>,
      %parallel_loop3A_116 = tpu.vector_load_idx %arg5[%parallel_loop3A_115] : memref<16xf32, #tpu.memory_space<vmem>>[vector<16xi32>], vector<16xf32>,
      %parallel_loop3A_117 = arith.constant 0 : i32
      %parallel_loop3A_118 = tpu.memref_slice %arg9[%parallel_loop3A_99, %parallel_loop3A_117] : memref<128x128xf32, #tpu.memory_space<vmem>> -> memref<1x128xf32, #tpu.memory_space<vmem>>
      %parallel_loop3A_119 = tpu.memref_squeeze %parallel_loop3A_118 : memref<1x128xf32, #tpu.memory_space<vmem>> -> memref<128xf32, #tpu.memory_space<vmem>>
      %parallel_loop3A_120 = arith.constant 16 : index
      %parallel_loop3A_121 = tpu.vector_load %parallel_loop3A_119[%parallel_loop3A_120] {strides = array<i32>} : memref<128xf32, #tpu.memory_space<vmem>>, vector<16xf32>,
      tpu.vector_store %parallel_loop3A_119[%parallel_loop3A_120], %parallel_loop3A_116 {strides = array<i32>} : memref<128xf32, #tpu.memory_space<vmem>>, vector<16xf32>,
      %parallel_loop3A_122 = arith.constant 0 : i32
      %parallel_loop3A_123 = tpu.memref_slice %arg7[%parallel_loop3A_99, %parallel_loop3A_122] : memref<128x128xi32, #tpu.memory_space<vmem>> -> memref<1x128xi32, #tpu.memory_space<vmem>>
      %parallel_loop3A_124 = tpu.memref_squeeze %parallel_loop3A_123 : memref<1x128xi32, #tpu.memory_space<vmem>> -> memref<128xi32, #tpu.memory_space<vmem>>
      %parallel_loop3A_125 = arith.constant 32 : index
      %parallel_loop3A_126 = tpu.vector_load %parallel_loop3A_124[%parallel_loop3A_125] {strides = array<i32>} : memref<128xi32, #tpu.memory_space<vmem>>, vector<16xi32>,
      %parallel_loop3A_127 = tpu.vector_load_idx %arg5[%parallel_loop3A_126] : memref<16xf32, #tpu.memory_space<vmem>>[vector<16xi32>], vector<16xf32>,
      %parallel_loop3A_128 = arith.constant 0 : i32
      %parallel_loop3A_129 = tpu.memref_slice %arg9[%parallel_loop3A_99, %parallel_loop3A_128] : memref<128x128xf32, #tpu.memory_space<vmem>> -> memref<1x128xf32, #tpu.memory_space<vmem>>
      %parallel_loop3A_130 = tpu.memref_squeeze %parallel_loop3A_129 : memref<1x128xf32, #tpu.memory_space<vmem>> -> memref<128xf32, #tpu.memory_space<vmem>>
      %parallel_loop3A_131 = arith.constant 32 : index
      %parallel_loop3A_132 = tpu.vector_load %parallel_loop3A_130[%parallel_loop3A_131] {strides = array<i32>} : memref<128xf32, #tpu.memory_space<vmem>>, vector<16xf32>,
      tpu.vector_store %parallel_loop3A_130[%parallel_loop3A_131], %parallel_loop3A_127 {strides = array<i32>} : memref<128xf32, #tpu.memory_space<vmem>>, vector<16xf32>,
      %parallel_loop3A_133 = arith.constant 0 : i32
      %parallel_loop3A_134 = tpu.memref_slice %arg7[%parallel_loop3A_99, %parallel_loop3A_133] : memref<128x128xi32, #tpu.memory_space<vmem>> -> memref<1x128xi32, #tpu.memory_space<vmem>>
      %parallel_loop3A_135 = tpu.memref_squeeze %parallel_loop3A_134 : memref<1x128xi32, #tpu.memory_space<vmem>> -> memref<128xi32, #tpu.memory_space<vmem>>
      %parallel_loop3A_136 = arith.constant 48 : index
      %parallel_loop3A_137 = tpu.vector_load %parallel_loop3A_135[%parallel_loop3A_136] {strides = array<i32>} : memref<128xi32, #tpu.memory_space<vmem>>, vector<16xi32>,
      %parallel_loop3A_138 = tpu.vector_load_idx %arg5[%parallel_loop3A_137] : memref<16xf32, #tpu.memory_space<vmem>>[vector<16xi32>], vector<16xf32>,
      %parallel_loop3A_139 = arith.constant 0 : i32
      %parallel_loop3A_140 = tpu.memref_slice %arg9[%parallel_loop3A_99, %parallel_loop3A_139] : memref<128x128xf32, #tpu.memory_space<vmem>> -> memref<1x128xf32, #tpu.memory_space<vmem>>
      %parallel_loop3A_141 = tpu.memref_squeeze %parallel_loop3A_140 : memref<1x128xf32, #tpu.memory_space<vmem>> -> memref<128xf32, #tpu.memory_space<vmem>>
      %parallel_loop3A_142 = arith.constant 48 : index
      %parallel_loop3A_143 = tpu.vector_load %parallel_loop3A_141[%parallel_loop3A_142] {strides = array<i32>} : memref<128xf32, #tpu.memory_space<vmem>>, vector<16xf32>,
      tpu.vector_store %parallel_loop3A_141[%parallel_loop3A_142], %parallel_loop3A_138 {strides = array<i32>} : memref<128xf32, #tpu.memory_space<vmem>>, vector<16xf32>,
      %parallel_loop3A_144 = arith.constant 0 : i32
      %parallel_loop3A_145 = tpu.memref_slice %arg7[%parallel_loop3A_99, %parallel_loop3A_144] : memref<128x128xi32, #tpu.memory_space<vmem>> -> memref<1x128xi32, #tpu.memory_space<vmem>>
      %parallel_loop3A_146 = tpu.memref_squeeze %parallel_loop3A_145 : memref<1x128xi32, #tpu.memory_space<vmem>> -> memref<128xi32, #tpu.memory_space<vmem>>
      %parallel_loop3A_147 = arith.constant 64 : index
      %parallel_loop3A_148 = tpu.vector_load %parallel_loop3A_146[%parallel_loop3A_147] {strides = array<i32>} : memref<128xi32, #tpu.memory_space<vmem>>, vector<16xi32>,
      %parallel_loop3A_149 = tpu.vector_load_idx %arg5[%parallel_loop3A_148] : memref<16xf32, #tpu.memory_space<vmem>>[vector<16xi32>], vector<16xf32>,
      %parallel_loop3A_150 = arith.constant 0 : i32
      %parallel_loop3A_151 = tpu.memref_slice %arg9[%parallel_loop3A_99, %parallel_loop3A_150] : memref<128x128xf32, #tpu.memory_space<vmem>> -> memref<1x128xf32, #tpu.memory_space<vmem>>
      %parallel_loop3A_152 = tpu.memref_squeeze %parallel_loop3A_151 : memref<1x128xf32, #tpu.memory_space<vmem>> -> memref<128xf32, #tpu.memory_space<vmem>>
      %parallel_loop3A_153 = arith.constant 64 : index
      %parallel_loop3A_154 = tpu.vector_load %parallel_loop3A_152[%parallel_loop3A_153] {strides = array<i32>} : memref<128xf32, #tpu.memory_space<vmem>>, vector<16xf32>,
      tpu.vector_store %parallel_loop3A_152[%parallel_loop3A_153], %parallel_loop3A_149 {strides = array<i32>} : memref<128xf32, #tpu.memory_space<vmem>>, vector<16xf32>,
      %parallel_loop3A_155 = arith.constant 0 : i32
      %parallel_loop3A_156 = tpu.memref_slice %arg7[%parallel_loop3A_99, %parallel_loop3A_155] : memref<128x128xi32, #tpu.memory_space<vmem>> -> memref<1x128xi32, #tpu.memory_space<vmem>>
      %parallel_loop3A_157 = tpu.memref_squeeze %parallel_loop3A_156 : memref<1x128xi32, #tpu.memory_space<vmem>> -> memref<128xi32, #tpu.memory_space<vmem>>
      %parallel_loop3A_158 = arith.constant 80 : index
      %parallel_loop3A_159 = tpu.vector_load %parallel_loop3A_157[%parallel_loop3A_158] {strides = array<i32>} : memref<128xi32, #tpu.memory_space<vmem>>, vector<16xi32>,
      %parallel_loop3A_160 = tpu.vector_load_idx %arg5[%parallel_loop3A_159] : memref<16xf32, #tpu.memory_space<vmem>>[vector<16xi32>], vector<16xf32>,
      %parallel_loop3A_161 = arith.constant 0 : i32
      %parallel_loop3A_162 = tpu.memref_slice %arg9[%parallel_loop3A_99, %parallel_loop3A_161] : memref<128x128xf32, #tpu.memory_space<vmem>> -> memref<1x128xf32, #tpu.memory_space<vmem>>
      %parallel_loop3A_163 = tpu.memref_squeeze %parallel_loop3A_162 : memref<1x128xf32, #tpu.memory_space<vmem>> -> memref<128xf32, #tpu.memory_space<vmem>>
      %parallel_loop3A_164 = arith.constant 80 : index
      %parallel_loop3A_165 = tpu.vector_load %parallel_loop3A_163[%parallel_loop3A_164] {strides = array<i32>} : memref<128xf32, #tpu.memory_space<vmem>>, vector<16xf32>,
      tpu.vector_store %parallel_loop3A_163[%parallel_loop3A_164], %parallel_loop3A_160 {strides = array<i32>} : memref<128xf32, #tpu.memory_space<vmem>>, vector<16xf32>,
      %parallel_loop3A_166 = arith.constant 0 : i32
      %parallel_loop3A_167 = tpu.memref_slice %arg7[%parallel_loop3A_99, %parallel_loop3A_166] : memref<128x128xi32, #tpu.memory_space<vmem>> -> memref<1x128xi32, #tpu.memory_space<vmem>>
      %parallel_loop3A_168 = tpu.memref_squeeze %parallel_loop3A_167 : memref<1x128xi32, #tpu.memory_space<vmem>> -> memref<128xi32, #tpu.memory_space<vmem>>
      %parallel_loop3A_169 = arith.constant 96 : index
      %parallel_loop3A_170 = tpu.vector_load %parallel_loop3A_168[%parallel_loop3A_169] {strides = array<i32>} : memref<128xi32, #tpu.memory_space<vmem>>, vector<16xi32>,
      %parallel_loop3A_171 = tpu.vector_load_idx %arg5[%parallel_loop3A_170] : memref<16xf32, #tpu.memory_space<vmem>>[vector<16xi32>], vector<16xf32>,
      %parallel_loop3A_172 = arith.constant 0 : i32
      %parallel_loop3A_173 = tpu.memref_slice %arg9[%parallel_loop3A_99, %parallel_loop3A_172] : memref<128x128xf32, #tpu.memory_space<vmem>> -> memref<1x128xf32, #tpu.memory_space<vmem>>
      %parallel_loop3A_174 = tpu.memref_squeeze %parallel_loop3A_173 : memref<1x128xf32, #tpu.memory_space<vmem>> -> memref<128xf32, #tpu.memory_space<vmem>>
      %parallel_loop3A_175 = arith.constant 96 : index
      %parallel_loop3A_176 = tpu.vector_load %parallel_loop3A_174[%parallel_loop3A_175] {strides = array<i32>} : memref<128xf32, #tpu.memory_space<vmem>>, vector<16xf32>,
      tpu.vector_store %parallel_loop3A_174[%parallel_loop3A_175], %parallel_loop3A_171 {strides = array<i32>} : memref<128xf32, #tpu.memory_space<vmem>>, vector<16xf32>,
      %parallel_loop3A_177 = arith.constant 0 : i32
      %parallel_loop3A_178 = tpu.memref_slice %arg7[%parallel_loop3A_99, %parallel_loop3A_177] : memref<128x128xi32, #tpu.memory_space<vmem>> -> memref<1x128xi32, #tpu.memory_space<vmem>>
      %parallel_loop3A_179 = tpu.memref_squeeze %parallel_loop3A_178 : memref<1x128xi32, #tpu.memory_space<vmem>> -> memref<128xi32, #tpu.memory_space<vmem>>
      %parallel_loop3A_180 = arith.constant 112 : index
      %parallel_loop3A_181 = tpu.vector_load %parallel_loop3A_179[%parallel_loop3A_180] {strides = array<i32>} : memref<128xi32, #tpu.memory_space<vmem>>, vector<16xi32>,
      %parallel_loop3A_182 = tpu.vector_load_idx %arg5[%parallel_loop3A_181] : memref<16xf32, #tpu.memory_space<vmem>>[vector<16xi32>], vector<16xf32>,
      %parallel_loop3A_183 = arith.constant 0 : i32
      %parallel_loop3A_184 = tpu.memref_slice %arg9[%parallel_loop3A_99, %parallel_loop3A_183] : memref<128x128xf32, #tpu.memory_space<vmem>> -> memref<1x128xf32, #tpu.memory_space<vmem>>
      %parallel_loop3A_185 = tpu.memref_squeeze %parallel_loop3A_184 : memref<1x128xf32, #tpu.memory_space<vmem>> -> memref<128xf32, #tpu.memory_space<vmem>>
      %parallel_loop3A_186 = arith.constant 112 : index
      %parallel_loop3A_187 = tpu.vector_load %parallel_loop3A_185[%parallel_loop3A_186] {strides = array<i32>} : memref<128xf32, #tpu.memory_space<vmem>>, vector<16xf32>,
      tpu.vector_store %parallel_loop3A_185[%parallel_loop3A_186], %parallel_loop3A_182 {strides = array<i32>} : memref<128xf32, #tpu.memory_space<vmem>>, vector<16xf32>,
    } {sc.loop_unroll_factor = 4 : i64, sc.parallel_access}
    %add3A_41 = arith.constant 128 : i32
    %add3A_42 = arith.addi %mul3A_2, %add3A_41 : i32
    %multiple_of3A_43 = tpu.assume_multiple %add3A_42, 8 : i32
    %dma_start3A_44 = arith.constant 0 : i32
    %dma_start3A_45 = tpu.memref_slice %arg4[%multiple_of3A_43, %dma_start3A_44] : memref<16384x200xf32, #tpu.memory_space<hbm>> -> memref<128x128xf32, #tpu.memory_space<hbm>>
    %dma_start3A_46 = arith.constant 0 : i32
    %dma_start3A_47 = tpu.memref_slice %arg4[%multiple_of3A_43, %dma_start3A_46] : memref<16384x200xf32, #tpu.memory_space<hbm>> -> memref<128x128xf32, #tpu.memory_space<hbm>>
    tpu.enqueue_dma source(%arg9 : memref<128x128xf32, #tpu.memory_space<vmem>>) target(%dma_start3A_47 : memref<128x128xf32, #tpu.memory_space<hbm>>) target_semaphore(%arg13 : memref<!tpu.dma_semaphore, #tpu.memory_space<semaphore_mem>>)
    %add3A_48 = arith.constant 384 : i32
    %add3A_49 = arith.addi %mul3A_2, %add3A_48 : i32
    %multiple_of3A_50 = tpu.assume_multiple %add3A_49, 8 : i32
    %dma_start3A_51 = arith.constant 0 : i32
    %dma_start3A_52 = tpu.memref_slice %arg2[%multiple_of3A_50, %dma_start3A_51] : memref<16384x200xi32, #tpu.memory_space<hbm>> -> memref<128x128xi32, #tpu.memory_space<hbm>>
    %dma_start3A_53 = arith.constant 0 : i32
    %dma_start3A_54 = tpu.memref_slice %arg2[%multiple_of3A_50, %dma_start3A_53] : memref<16384x200xi32, #tpu.memory_space<hbm>> -> memref<128x128xi32, #tpu.memory_space<hbm>>
    tpu.enqueue_dma source(%dma_start3A_54 : memref<128x128xi32, #tpu.memory_space<hbm>>) target(%arg7 : memref<128x128xi32, #tpu.memory_space<vmem>>) target_semaphore(%arg11 : memref<!tpu.dma_semaphore, #tpu.memory_space<semaphore_mem>>)
    %dma_wait3A_55 = arith.constant 0 : i32
    %dma_wait3A_56 = tpu.memref_slice %arg2[%multiple_of3A_29, %dma_wait3A_55] : memref<16384x200xi32, #tpu.memory_space<hbm>> -> memref<128x128xi32, #tpu.memory_space<hbm>>
    %dma_wait3A_57 = arith.constant 0 : i32
    %dma_wait3A_58 = tpu.memref_slice %arg2[%multiple_of3A_29, %dma_wait3A_57] : memref<16384x200xi32, #tpu.memory_space<hbm>> -> memref<128x128xi32, #tpu.memory_space<hbm>>
    tpu.wait_dma2 semaphore(%arg10 : memref<!tpu.dma_semaphore, #tpu.memory_space<semaphore_mem>>) src(%dma_wait3A_58 : memref<128x128xi32, #tpu.memory_space<hbm>>) dst(%arg6 : memref<128x128xi32, #tpu.memory_space<vmem>>)
    %dma_wait3A_59 = arith.constant 0 : i32
    %dma_wait3A_60 = tpu.memref_slice %arg4[%multiple_of3A_22, %dma_wait3A_59] : memref<16384x200xf32, #tpu.memory_space<hbm>> -> memref<128x128xf32, #tpu.memory_space<hbm>>
    %dma_wait3A_61 = arith.constant 0 : i32
    %dma_wait3A_62 = tpu.memref_slice %arg4[%multiple_of3A_22, %dma_wait3A_61] : memref<16384x200xf32, #tpu.memory_space<hbm>> -> memref<128x128xf32, #tpu.memory_space<hbm>>
    tpu.wait_dma2 semaphore(%arg12 : memref<!tpu.dma_semaphore, #tpu.memory_space<semaphore_mem>>) src(%arg8 : memref<128x128xf32, #tpu.memory_space<vmem>>) dst(%dma_wait3A_62 : memref<128x128xf32, #tpu.memory_space<hbm>>)
    %parallel_loop3A_63 = arith.constant 0 : i32
    %parallel_loop3A_64 = arith.constant 128 : i32
    %parallel_loop3A_65 = arith.constant 1 : i32
    scf.for %parallel_loop3A_99 = %parallel_loop3A_63 to %parallel_loop3A_64 step %parallel_loop3A_65  : i32 {
      %parallel_loop3A_100 = arith.constant 0 : i32
      %parallel_loop3A_101 = tpu.memref_slice %arg6[%parallel_loop3A_99, %parallel_loop3A_100] : memref<128x128xi32, #tpu.memory_space<vmem>> -> memref<1x128xi32, #tpu.memory_space<vmem>>
      %parallel_loop3A_102 = tpu.memref_squeeze %parallel_loop3A_101 : memref<1x128xi32, #tpu.memory_space<vmem>> -> memref<128xi32, #tpu.memory_space<vmem>>
      %parallel_loop3A_103 = arith.constant 0 : index
      %parallel_loop3A_104 = tpu.vector_load %parallel_loop3A_102[%parallel_loop3A_103] {strides = array<i32>} : memref<128xi32, #tpu.memory_space<vmem>>, vector<16xi32>,
      %parallel_loop3A_105 = tpu.vector_load_idx %arg5[%parallel_loop3A_104] : memref<16xf32, #tpu.memory_space<vmem>>[vector<16xi32>], vector<16xf32>,
      %parallel_loop3A_106 = arith.constant 0 : i32
      %parallel_loop3A_107 = tpu.memref_slice %arg8[%parallel_loop3A_99, %parallel_loop3A_106] : memref<128x128xf32, #tpu.memory_space<vmem>> -> memref<1x128xf32, #tpu.memory_space<vmem>>
      %parallel_loop3A_108 = tpu.memref_squeeze %parallel_loop3A_107 : memref<1x128xf32, #tpu.memory_space<vmem>> -> memref<128xf32, #tpu.memory_space<vmem>>
      %parallel_loop3A_109 = arith.constant 0 : index
      %parallel_loop3A_110 = tpu.vector_load %parallel_loop3A_108[%parallel_loop3A_109] {strides = array<i32>} : memref<128xf32, #tpu.memory_space<vmem>>, vector<16xf32>,
      tpu.vector_store %parallel_loop3A_108[%parallel_loop3A_109], %parallel_loop3A_105 {strides = array<i32>} : memref<128xf32, #tpu.memory_space<vmem>>, vector<16xf32>,
      %parallel_loop3A_111 = arith.constant 0 : i32
      %parallel_loop3A_112 = tpu.memref_slice %arg6[%parallel_loop3A_99, %parallel_loop3A_111] : memref<128x128xi32, #tpu.memory_space<vmem>> -> memref<1x128xi32, #tpu.memory_space<vmem>>
      %parallel_loop3A_113 = tpu.memref_squeeze %parallel_loop3A_112 : memref<1x128xi32, #tpu.memory_space<vmem>> -> memref<128xi32, #tpu.memory_space<vmem>>
      %parallel_loop3A_114 = arith.constant 16 : index
      %parallel_loop3A_115 = tpu.vector_load %parallel_loop3A_113[%parallel_loop3A_114] {strides = array<i32>} : memref<128xi32, #tpu.memory_space<vmem>>, vector<16xi32>,
      %parallel_loop3A_116 = tpu.vector_load_idx %arg5[%parallel_loop3A_115] : memref<16xf32, #tpu.memory_space<vmem>>[vector<16xi32>], vector<16xf32>,
      %parallel_loop3A_117 = arith.constant 0 : i32
      %parallel_loop3A_118 = tpu.memref_slice %arg8[%parallel_loop3A_99, %parallel_loop3A_117] : memref<128x128xf32, #tpu.memory_space<vmem>> -> memref<1x128xf32, #tpu.memory_space<vmem>>
      %parallel_loop3A_119 = tpu.memref_squeeze %parallel_loop3A_118 : memref<1x128xf32, #tpu.memory_space<vmem>> -> memref<128xf32, #tpu.memory_space<vmem>>
      %parallel_loop3A_120 = arith.constant 16 : index
      %parallel_loop3A_121 = tpu.vector_load %parallel_loop3A_119[%parallel_loop3A_120] {strides = array<i32>} : memref<128xf32, #tpu.memory_space<vmem>>, vector<16xf32>,
      tpu.vector_store %parallel_loop3A_119[%parallel_loop3A_120], %parallel_loop3A_116 {strides = array<i32>} : memref<128xf32, #tpu.memory_space<vmem>>, vector<16xf32>,
      %parallel_loop3A_122 = arith.constant 0 : i32
      %parallel_loop3A_123 = tpu.memref_slice %arg6[%parallel_loop3A_99, %parallel_loop3A_122] : memref<128x128xi32, #tpu.memory_space<vmem>> -> memref<1x128xi32, #tpu.memory_space<vmem>>
      %parallel_loop3A_124 = tpu.memref_squeeze %parallel_loop3A_123 : memref<1x128xi32, #tpu.memory_space<vmem>> -> memref<128xi32, #tpu.memory_space<vmem>>
      %parallel_loop3A_125 = arith.constant 32 : index
      %parallel_loop3A_126 = tpu.vector_load %parallel_loop3A_124[%parallel_loop3A_125] {strides = array<i32>} : memref<128xi32, #tpu.memory_space<vmem>>, vector<16xi32>,
      %parallel_loop3A_127 = tpu.vector_load_idx %arg5[%parallel_loop3A_126] : memref<16xf32, #tpu.memory_space<vmem>>[vector<16xi32>], vector<16xf32>,
      %parallel_loop3A_128 = arith.constant 0 : i32
      %parallel_loop3A_129 = tpu.memref_slice %arg8[%parallel_loop3A_99, %parallel_loop3A_128] : memref<128x128xf32, #tpu.memory_space<vmem>> -> memref<1x128xf32, #tpu.memory_space<vmem>>
      %parallel_loop3A_130 = tpu.memref_squeeze %parallel_loop3A_129 : memref<1x128xf32, #tpu.memory_space<vmem>> -> memref<128xf32, #tpu.memory_space<vmem>>
      %parallel_loop3A_131 = arith.constant 32 : index
      %parallel_loop3A_132 = tpu.vector_load %parallel_loop3A_130[%parallel_loop3A_131] {strides = array<i32>} : memref<128xf32, #tpu.memory_space<vmem>>, vector<16xf32>,
      tpu.vector_store %parallel_loop3A_130[%parallel_loop3A_131], %parallel_loop3A_127 {strides = array<i32>} : memref<128xf32, #tpu.memory_space<vmem>>, vector<16xf32>,
      %parallel_loop3A_133 = arith.constant 0 : i32
      %parallel_loop3A_134 = tpu.memref_slice %arg6[%parallel_loop3A_99, %parallel_loop3A_133] : memref<128x128xi32, #tpu.memory_space<vmem>> -> memref<1x128xi32, #tpu.memory_space<vmem>>
      %parallel_loop3A_135 = tpu.memref_squeeze %parallel_loop3A_134 : memref<1x128xi32, #tpu.memory_space<vmem>> -> memref<128xi32, #tpu.memory_space<vmem>>
      %parallel_loop3A_136 = arith.constant 48 : index
      %parallel_loop3A_137 = tpu.vector_load %parallel_loop3A_135[%parallel_loop3A_136] {strides = array<i32>} : memref<128xi32, #tpu.memory_space<vmem>>, vector<16xi32>,
      %parallel_loop3A_138 = tpu.vector_load_idx %arg5[%parallel_loop3A_137] : memref<16xf32, #tpu.memory_space<vmem>>[vector<16xi32>], vector<16xf32>,
      %parallel_loop3A_139 = arith.constant 0 : i32
      %parallel_loop3A_140 = tpu.memref_slice %arg8[%parallel_loop3A_99, %parallel_loop3A_139] : memref<128x128xf32, #tpu.memory_space<vmem>> -> memref<1x128xf32, #tpu.memory_space<vmem>>
      %parallel_loop3A_141 = tpu.memref_squeeze %parallel_loop3A_140 : memref<1x128xf32, #tpu.memory_space<vmem>> -> memref<128xf32, #tpu.memory_space<vmem>>
      %parallel_loop3A_142 = arith.constant 48 : index
      %parallel_loop3A_143 = tpu.vector_load %parallel_loop3A_141[%parallel_loop3A_142] {strides = array<i32>} : memref<128xf32, #tpu.memory_space<vmem>>, vector<16xf32>,
      tpu.vector_store %parallel_loop3A_141[%parallel_loop3A_142], %parallel_loop3A_138 {strides = array<i32>} : memref<128xf32, #tpu.memory_space<vmem>>, vector<16xf32>,
      %parallel_loop3A_144 = arith.constant 0 : i32
      %parallel_loop3A_145 = tpu.memref_slice %arg6[%parallel_loop3A_99, %parallel_loop3A_144] : memref<128x128xi32, #tpu.memory_space<vmem>> -> memref<1x128xi32, #tpu.memory_space<vmem>>
      %parallel_loop3A_146 = tpu.memref_squeeze %parallel_loop3A_145 : memref<1x128xi32, #tpu.memory_space<vmem>> -> memref<128xi32, #tpu.memory_space<vmem>>
      %parallel_loop3A_147 = arith.constant 64 : index
      %parallel_loop3A_148 = tpu.vector_load %parallel_loop3A_146[%parallel_loop3A_147] {strides = array<i32>} : memref<128xi32, #tpu.memory_space<vmem>>, vector<16xi32>,
      %parallel_loop3A_149 = tpu.vector_load_idx %arg5[%parallel_loop3A_148] : memref<16xf32, #tpu.memory_space<vmem>>[vector<16xi32>], vector<16xf32>,
      %parallel_loop3A_150 = arith.constant 0 : i32
      %parallel_loop3A_151 = tpu.memref_slice %arg8[%parallel_loop3A_99, %parallel_loop3A_150] : memref<128x128xf32, #tpu.memory_space<vmem>> -> memref<1x128xf32, #tpu.memory_space<vmem>>
      %parallel_loop3A_152 = tpu.memref_squeeze %parallel_loop3A_151 : memref<1x128xf32, #tpu.memory_space<vmem>> -> memref<128xf32, #tpu.memory_space<vmem>>
      %parallel_loop3A_153 = arith.constant 64 : index
      %parallel_loop3A_154 = tpu.vector_load %parallel_loop3A_152[%parallel_loop3A_153] {strides = array<i32>} : memref<128xf32, #tpu.memory_space<vmem>>, vector<16xf32>,
      tpu.vector_store %parallel_loop3A_152[%parallel_loop3A_153], %parallel_loop3A_149 {strides = array<i32>} : memref<128xf32, #tpu.memory_space<vmem>>, vector<16xf32>,
      %parallel_loop3A_155 = arith.constant 0 : i32
      %parallel_loop3A_156 = tpu.memref_slice %arg6[%parallel_loop3A_99, %parallel_loop3A_155] : memref<128x128xi32, #tpu.memory_space<vmem>> -> memref<1x128xi32, #tpu.memory_space<vmem>>
      %parallel_loop3A_157 = tpu.memref_squeeze %parallel_loop3A_156 : memref<1x128xi32, #tpu.memory_space<vmem>> -> memref<128xi32, #tpu.memory_space<vmem>>
      %parallel_loop3A_158 = arith.constant 80 : index
      %parallel_loop3A_159 = tpu.vector_load %parallel_loop3A_157[%parallel_loop3A_158] {strides = array<i32>} : memref<128xi32, #tpu.memory_space<vmem>>, vector<16xi32>,
      %parallel_loop3A_160 = tpu.vector_load_idx %arg5[%parallel_loop3A_159] : memref<16xf32, #tpu.memory_space<vmem>>[vector<16xi32>], vector<16xf32>,
      %parallel_loop3A_161 = arith.constant 0 : i32
      %parallel_loop3A_162 = tpu.memref_slice %arg8[%parallel_loop3A_99, %parallel_loop3A_161] : memref<128x128xf32, #tpu.memory_space<vmem>> -> memref<1x128xf32, #tpu.memory_space<vmem>>
      %parallel_loop3A_163 = tpu.memref_squeeze %parallel_loop3A_162 : memref<1x128xf32, #tpu.memory_space<vmem>> -> memref<128xf32, #tpu.memory_space<vmem>>
      %parallel_loop3A_164 = arith.constant 80 : index
      %parallel_loop3A_165 = tpu.vector_load %parallel_loop3A_163[%parallel_loop3A_164] {strides = array<i32>} : memref<128xf32, #tpu.memory_space<vmem>>, vector<16xf32>,
      tpu.vector_store %parallel_loop3A_163[%parallel_loop3A_164], %parallel_loop3A_160 {strides = array<i32>} : memref<128xf32, #tpu.memory_space<vmem>>, vector<16xf32>,
      %parallel_loop3A_166 = arith.constant 0 : i32
      %parallel_loop3A_167 = tpu.memref_slice %arg6[%parallel_loop3A_99, %parallel_loop3A_166] : memref<128x128xi32, #tpu.memory_space<vmem>> -> memref<1x128xi32, #tpu.memory_space<vmem>>
      %parallel_loop3A_168 = tpu.memref_squeeze %parallel_loop3A_167 : memref<1x128xi32, #tpu.memory_space<vmem>> -> memref<128xi32, #tpu.memory_space<vmem>>
      %parallel_loop3A_169 = arith.constant 96 : index
      %parallel_loop3A_170 = tpu.vector_load %parallel_loop3A_168[%parallel_loop3A_169] {strides = array<i32>} : memref<128xi32, #tpu.memory_space<vmem>>, vector<16xi32>,
      %parallel_loop3A_171 = tpu.vector_load_idx %arg5[%parallel_loop3A_170] : memref<16xf32, #tpu.memory_space<vmem>>[vector<16xi32>], vector<16xf32>,
      %parallel_loop3A_172 = arith.constant 0 : i32
      %parallel_loop3A_173 = tpu.memref_slice %arg8[%parallel_loop3A_99, %parallel_loop3A_172] : memref<128x128xf32, #tpu.memory_space<vmem>> -> memref<1x128xf32, #tpu.memory_space<vmem>>
      %parallel_loop3A_174 = tpu.memref_squeeze %parallel_loop3A_173 : memref<1x128xf32, #tpu.memory_space<vmem>> -> memref<128xf32, #tpu.memory_space<vmem>>
      %parallel_loop3A_175 = arith.constant 96 : index
      %parallel_loop3A_176 = tpu.vector_load %parallel_loop3A_174[%parallel_loop3A_175] {strides = array<i32>} : memref<128xf32, #tpu.memory_space<vmem>>, vector<16xf32>,
      tpu.vector_store %parallel_loop3A_174[%parallel_loop3A_175], %parallel_loop3A_171 {strides = array<i32>} : memref<128xf32, #tpu.memory_space<vmem>>, vector<16xf32>,
      %parallel_loop3A_177 = arith.constant 0 : i32
      %parallel_loop3A_178 = tpu.memref_slice %arg6[%parallel_loop3A_99, %parallel_loop3A_177] : memref<128x128xi32, #tpu.memory_space<vmem>> -> memref<1x128xi32, #tpu.memory_space<vmem>>
      %parallel_loop3A_179 = tpu.memref_squeeze %parallel_loop3A_178 : memref<1x128xi32, #tpu.memory_space<vmem>> -> memref<128xi32, #tpu.memory_space<vmem>>
      %parallel_loop3A_180 = arith.constant 112 : index
      %parallel_loop3A_181 = tpu.vector_load %parallel_loop3A_179[%parallel_loop3A_180] {strides = array<i32>} : memref<128xi32, #tpu.memory_space<vmem>>, vector<16xi32>,
      %parallel_loop3A_182 = tpu.vector_load_idx %arg5[%parallel_loop3A_181] : memref<16xf32, #tpu.memory_space<vmem>>[vector<16xi32>], vector<16xf32>,
      %parallel_loop3A_183 = arith.constant 0 : i32
      %parallel_loop3A_184 = tpu.memref_slice %arg8[%parallel_loop3A_99, %parallel_loop3A_183] : memref<128x128xf32, #tpu.memory_space<vmem>> -> memref<1x128xf32, #tpu.memory_space<vmem>>
      %parallel_loop3A_185 = tpu.memref_squeeze %parallel_loop3A_184 : memref<1x128xf32, #tpu.memory_space<vmem>> -> memref<128xf32, #tpu.memory_space<vmem>>
      %parallel_loop3A_186 = arith.constant 112 : index
      %parallel_loop3A_187 = tpu.vector_load %parallel_loop3A_185[%parallel_loop3A_186] {strides = array<i32>} : memref<128xf32, #tpu.memory_space<vmem>>, vector<16xf32>,
      tpu.vector_store %parallel_loop3A_185[%parallel_loop3A_186], %parallel_loop3A_182 {strides = array<i32>} : memref<128xf32, #tpu.memory_space<vmem>>, vector<16xf32>,
    } {sc.loop_unroll_factor = 4 : i64, sc.parallel_access}
    %add3A_66 = arith.constant 256 : i32
    %add3A_67 = arith.addi %mul3A_2, %add3A_66 : i32
    %multiple_of3A_68 = tpu.assume_multiple %add3A_67, 8 : i32
    %dma_start3A_69 = arith.constant 0 : i32
    %dma_start3A_70 = tpu.memref_slice %arg4[%multiple_of3A_68, %dma_start3A_69] : memref<16384x200xf32, #tpu.memory_space<hbm>> -> memref<128x128xf32, #tpu.memory_space<hbm>>
    %dma_start3A_71 = arith.constant 0 : i32
    %dma_start3A_72 = tpu.memref_slice %arg4[%multiple_of3A_68, %dma_start3A_71] : memref<16384x200xf32, #tpu.memory_space<hbm>> -> memref<128x128xf32, #tpu.memory_space<hbm>>
    tpu.enqueue_dma source(%arg8 : memref<128x128xf32, #tpu.memory_space<vmem>>) target(%dma_start3A_72 : memref<128x128xf32, #tpu.memory_space<hbm>>) target_semaphore(%arg12 : memref<!tpu.dma_semaphore, #tpu.memory_space<semaphore_mem>>)
    %dma_wait3A_73 = arith.constant 0 : i32
    %dma_wait3A_74 = tpu.memref_slice %arg2[%multiple_of3A_50, %dma_wait3A_73] : memref<16384x200xi32, #tpu.memory_space<hbm>> -> memref<128x128xi32, #tpu.memory_space<hbm>>
    %dma_wait3A_75 = arith.constant 0 : i32
    %dma_wait3A_76 = tpu.memref_slice %arg2[%multiple_of3A_50, %dma_wait3A_75] : memref<16384x200xi32, #tpu.memory_space<hbm>> -> memref<128x128xi32, #tpu.memory_space<hbm>>
    tpu.wait_dma2 semaphore(%arg11 : memref<!tpu.dma_semaphore, #tpu.memory_space<semaphore_mem>>) src(%dma_wait3A_76 : memref<128x128xi32, #tpu.memory_space<hbm>>) dst(%arg7 : memref<128x128xi32, #tpu.memory_space<vmem>>)
    %dma_wait3A_77 = arith.constant 0 : i32
    %dma_wait3A_78 = tpu.memref_slice %arg4[%multiple_of3A_43, %dma_wait3A_77] : memref<16384x200xf32, #tpu.memory_space<hbm>> -> memref<128x128xf32, #tpu.memory_space<hbm>>
    %dma_wait3A_79 = arith.constant 0 : i32
    %dma_wait3A_80 = tpu.memref_slice %arg4[%multiple_of3A_43, %dma_wait3A_79] : memref<16384x200xf32, #tpu.memory_space<hbm>> -> memref<128x128xf32, #tpu.memory_space<hbm>>
    tpu.wait_dma2 semaphore(%arg13 : memref<!tpu.dma_semaphore, #tpu.memory_space<semaphore_mem>>) src(%arg9 : memref<128x128xf32, #tpu.memory_space<vmem>>) dst(%dma_wait3A_80 : memref<128x128xf32, #tpu.memory_space<hbm>>)
    %parallel_loop3A_81 = arith.constant 0 : i32
    %parallel_loop3A_82 = arith.constant 128 : i32
    %parallel_loop3A_83 = arith.constant 1 : i32
    scf.for %parallel_loop3A_99 = %parallel_loop3A_81 to %parallel_loop3A_82 step %parallel_loop3A_83  : i32 {
      %parallel_loop3A_100 = arith.constant 0 : i32
      %parallel_loop3A_101 = tpu.memref_slice %arg7[%parallel_loop3A_99, %parallel_loop3A_100] : memref<128x128xi32, #tpu.memory_space<vmem>> -> memref<1x128xi32, #tpu.memory_space<vmem>>
      %parallel_loop3A_102 = tpu.memref_squeeze %parallel_loop3A_101 : memref<1x128xi32, #tpu.memory_space<vmem>> -> memref<128xi32, #tpu.memory_space<vmem>>
      %parallel_loop3A_103 = arith.constant 0 : index
      %parallel_loop3A_104 = tpu.vector_load %parallel_loop3A_102[%parallel_loop3A_103] {strides = array<i32>} : memref<128xi32, #tpu.memory_space<vmem>>, vector<16xi32>,
      %parallel_loop3A_105 = tpu.vector_load_idx %arg5[%parallel_loop3A_104] : memref<16xf32, #tpu.memory_space<vmem>>[vector<16xi32>], vector<16xf32>,
      %parallel_loop3A_106 = arith.constant 0 : i32
      %parallel_loop3A_107 = tpu.memref_slice %arg9[%parallel_loop3A_99, %parallel_loop3A_106] : memref<128x128xf32, #tpu.memory_space<vmem>> -> memref<1x128xf32, #tpu.memory_space<vmem>>
      %parallel_loop3A_108 = tpu.memref_squeeze %parallel_loop3A_107 : memref<1x128xf32, #tpu.memory_space<vmem>> -> memref<128xf32, #tpu.memory_space<vmem>>
      %parallel_loop3A_109 = arith.constant 0 : index
      %parallel_loop3A_110 = tpu.vector_load %parallel_loop3A_108[%parallel_loop3A_109] {strides = array<i32>} : memref<128xf32, #tpu.memory_space<vmem>>, vector<16xf32>,
      tpu.vector_store %parallel_loop3A_108[%parallel_loop3A_109], %parallel_loop3A_105 {strides = array<i32>} : memref<128xf32, #tpu.memory_space<vmem>>, vector<16xf32>,
      %parallel_loop3A_111 = arith.constant 0 : i32
      %parallel_loop3A_112 = tpu.memref_slice %arg7[%parallel_loop3A_99, %parallel_loop3A_111] : memref<128x128xi32, #tpu.memory_space<vmem>> -> memref<1x128xi32, #tpu.memory_space<vmem>>
      %parallel_loop3A_113 = tpu.memref_squeeze %parallel_loop3A_112 : memref<1x128xi32, #tpu.memory_space<vmem>> -> memref<128xi32, #tpu.memory_space<vmem>>
      %parallel_loop3A_114 = arith.constant 16 : index
      %parallel_loop3A_115 = tpu.vector_load %parallel_loop3A_113[%parallel_loop3A_114] {strides = array<i32>} : memref<128xi32, #tpu.memory_space<vmem>>, vector<16xi32>,
      %parallel_loop3A_116 = tpu.vector_load_idx %arg5[%parallel_loop3A_115] : memref<16xf32, #tpu.memory_space<vmem>>[vector<16xi32>], vector<16xf32>,
      %parallel_loop3A_117 = arith.constant 0 : i32
      %parallel_loop3A_118 = tpu.memref_slice %arg9[%parallel_loop3A_99, %parallel_loop3A_117] : memref<128x128xf32, #tpu.memory_space<vmem>> -> memref<1x128xf32, #tpu.memory_space<vmem>>
      %parallel_loop3A_119 = tpu.memref_squeeze %parallel_loop3A_118 : memref<1x128xf32, #tpu.memory_space<vmem>> -> memref<128xf32, #tpu.memory_space<vmem>>
      %parallel_loop3A_120 = arith.constant 16 : index
      %parallel_loop3A_121 = tpu.vector_load %parallel_loop3A_119[%parallel_loop3A_120] {strides = array<i32>} : memref<128xf32, #tpu.memory_space<vmem>>, vector<16xf32>,
      tpu.vector_store %parallel_loop3A_119[%parallel_loop3A_120], %parallel_loop3A_116 {strides = array<i32>} : memref<128xf32, #tpu.memory_space<vmem>>, vector<16xf32>,
      %parallel_loop3A_122 = arith.constant 0 : i32
      %parallel_loop3A_123 = tpu.memref_slice %arg7[%parallel_loop3A_99, %parallel_loop3A_122] : memref<128x128xi32, #tpu.memory_space<vmem>> -> memref<1x128xi32, #tpu.memory_space<vmem>>
      %parallel_loop3A_124 = tpu.memref_squeeze %parallel_loop3A_123 : memref<1x128xi32, #tpu.memory_space<vmem>> -> memref<128xi32, #tpu.memory_space<vmem>>
      %parallel_loop3A_125 = arith.constant 32 : index
      %parallel_loop3A_126 = tpu.vector_load %parallel_loop3A_124[%parallel_loop3A_125] {strides = array<i32>} : memref<128xi32, #tpu.memory_space<vmem>>, vector<16xi32>,
      %parallel_loop3A_127 = tpu.vector_load_idx %arg5[%parallel_loop3A_126] : memref<16xf32, #tpu.memory_space<vmem>>[vector<16xi32>], vector<16xf32>,
      %parallel_loop3A_128 = arith.constant 0 : i32
      %parallel_loop3A_129 = tpu.memref_slice %arg9[%parallel_loop3A_99, %parallel_loop3A_128] : memref<128x128xf32, #tpu.memory_space<vmem>> -> memref<1x128xf32, #tpu.memory_space<vmem>>
      %parallel_loop3A_130 = tpu.memref_squeeze %parallel_loop3A_129 : memref<1x128xf32, #tpu.memory_space<vmem>> -> memref<128xf32, #tpu.memory_space<vmem>>
      %parallel_loop3A_131 = arith.constant 32 : index
      %parallel_loop3A_132 = tpu.vector_load %parallel_loop3A_130[%parallel_loop3A_131] {strides = array<i32>} : memref<128xf32, #tpu.memory_space<vmem>>, vector<16xf32>,
      tpu.vector_store %parallel_loop3A_130[%parallel_loop3A_131], %parallel_loop3A_127 {strides = array<i32>} : memref<128xf32, #tpu.memory_space<vmem>>, vector<16xf32>,
      %parallel_loop3A_133 = arith.constant 0 : i32
      %parallel_loop3A_134 = tpu.memref_slice %arg7[%parallel_loop3A_99, %parallel_loop3A_133] : memref<128x128xi32, #tpu.memory_space<vmem>> -> memref<1x128xi32, #tpu.memory_space<vmem>>
      %parallel_loop3A_135 = tpu.memref_squeeze %parallel_loop3A_134 : memref<1x128xi32, #tpu.memory_space<vmem>> -> memref<128xi32, #tpu.memory_space<vmem>>
      %parallel_loop3A_136 = arith.constant 48 : index
      %parallel_loop3A_137 = tpu.vector_load %parallel_loop3A_135[%parallel_loop3A_136] {strides = array<i32>} : memref<128xi32, #tpu.memory_space<vmem>>, vector<16xi32>,
      %parallel_loop3A_138 = tpu.vector_load_idx %arg5[%parallel_loop3A_137] : memref<16xf32, #tpu.memory_space<vmem>>[vector<16xi32>], vector<16xf32>,
      %parallel_loop3A_139 = arith.constant 0 : i32
      %parallel_loop3A_140 = tpu.memref_slice %arg9[%parallel_loop3A_99, %parallel_loop3A_139] : memref<128x128xf32, #tpu.memory_space<vmem>> -> memref<1x128xf32, #tpu.memory_space<vmem>>
      %parallel_loop3A_141 = tpu.memref_squeeze %parallel_loop3A_140 : memref<1x128xf32, #tpu.memory_space<vmem>> -> memref<128xf32, #tpu.memory_space<vmem>>
      %parallel_loop3A_142 = arith.constant 48 : index
      %parallel_loop3A_143 = tpu.vector_load %parallel_loop3A_141[%parallel_loop3A_142] {strides = array<i32>} : memref<128xf32, #tpu.memory_space<vmem>>, vector<16xf32>,
      tpu.vector_store %parallel_loop3A_141[%parallel_loop3A_142], %parallel_loop3A_138 {strides = array<i32>} : memref<128xf32, #tpu.memory_space<vmem>>, vector<16xf32>,
      %parallel_loop3A_144 = arith.constant 0 : i32
      %parallel_loop3A_145 = tpu.memref_slice %arg7[%parallel_loop3A_99, %parallel_loop3A_144] : memref<128x128xi32, #tpu.memory_space<vmem>> -> memref<1x128xi32, #tpu.memory_space<vmem>>
      %parallel_loop3A_146 = tpu.memref_squeeze %parallel_loop3A_145 : memref<1x128xi32, #tpu.memory_space<vmem>> -> memref<128xi32, #tpu.memory_space<vmem>>
      %parallel_loop3A_147 = arith.constant 64 : index
      %parallel_loop3A_148 = tpu.vector_load %parallel_loop3A_146[%parallel_loop3A_147] {strides = array<i32>} : memref<128xi32, #tpu.memory_space<vmem>>, vector<16xi32>,
      %parallel_loop3A_149 = tpu.vector_load_idx %arg5[%parallel_loop3A_148] : memref<16xf32, #tpu.memory_space<vmem>>[vector<16xi32>], vector<16xf32>,
      %parallel_loop3A_150 = arith.constant 0 : i32
      %parallel_loop3A_151 = tpu.memref_slice %arg9[%parallel_loop3A_99, %parallel_loop3A_150] : memref<128x128xf32, #tpu.memory_space<vmem>> -> memref<1x128xf32, #tpu.memory_space<vmem>>
      %parallel_loop3A_152 = tpu.memref_squeeze %parallel_loop3A_151 : memref<1x128xf32, #tpu.memory_space<vmem>> -> memref<128xf32, #tpu.memory_space<vmem>>
      %parallel_loop3A_153 = arith.constant 64 : index
      %parallel_loop3A_154 = tpu.vector_load %parallel_loop3A_152[%parallel_loop3A_153] {strides = array<i32>} : memref<128xf32, #tpu.memory_space<vmem>>, vector<16xf32>,
      tpu.vector_store %parallel_loop3A_152[%parallel_loop3A_153], %parallel_loop3A_149 {strides = array<i32>} : memref<128xf32, #tpu.memory_space<vmem>>, vector<16xf32>,
      %parallel_loop3A_155 = arith.constant 0 : i32
      %parallel_loop3A_156 = tpu.memref_slice %arg7[%parallel_loop3A_99, %parallel_loop3A_155] : memref<128x128xi32, #tpu.memory_space<vmem>> -> memref<1x128xi32, #tpu.memory_space<vmem>>
      %parallel_loop3A_157 = tpu.memref_squeeze %parallel_loop3A_156 : memref<1x128xi32, #tpu.memory_space<vmem>> -> memref<128xi32, #tpu.memory_space<vmem>>
      %parallel_loop3A_158 = arith.constant 80 : index
      %parallel_loop3A_159 = tpu.vector_load %parallel_loop3A_157[%parallel_loop3A_158] {strides = array<i32>} : memref<128xi32, #tpu.memory_space<vmem>>, vector<16xi32>,
      %parallel_loop3A_160 = tpu.vector_load_idx %arg5[%parallel_loop3A_159] : memref<16xf32, #tpu.memory_space<vmem>>[vector<16xi32>], vector<16xf32>,
      %parallel_loop3A_161 = arith.constant 0 : i32
      %parallel_loop3A_162 = tpu.memref_slice %arg9[%parallel_loop3A_99, %parallel_loop3A_161] : memref<128x128xf32, #tpu.memory_space<vmem>> -> memref<1x128xf32, #tpu.memory_space<vmem>>
      %parallel_loop3A_163 = tpu.memref_squeeze %parallel_loop3A_162 : memref<1x128xf32, #tpu.memory_space<vmem>> -> memref<128xf32, #tpu.memory_space<vmem>>
      %parallel_loop3A_164 = arith.constant 80 : index
      %parallel_loop3A_165 = tpu.vector_load %parallel_loop3A_163[%parallel_loop3A_164] {strides = array<i32>} : memref<128xf32, #tpu.memory_space<vmem>>, vector<16xf32>,
      tpu.vector_store %parallel_loop3A_163[%parallel_loop3A_164], %parallel_loop3A_160 {strides = array<i32>} : memref<128xf32, #tpu.memory_space<vmem>>, vector<16xf32>,
      %parallel_loop3A_166 = arith.constant 0 : i32
      %parallel_loop3A_167 = tpu.memref_slice %arg7[%parallel_loop3A_99, %parallel_loop3A_166] : memref<128x128xi32, #tpu.memory_space<vmem>> -> memref<1x128xi32, #tpu.memory_space<vmem>>
      %parallel_loop3A_168 = tpu.memref_squeeze %parallel_loop3A_167 : memref<1x128xi32, #tpu.memory_space<vmem>> -> memref<128xi32, #tpu.memory_space<vmem>>
      %parallel_loop3A_169 = arith.constant 96 : index
      %parallel_loop3A_170 = tpu.vector_load %parallel_loop3A_168[%parallel_loop3A_169] {strides = array<i32>} : memref<128xi32, #tpu.memory_space<vmem>>, vector<16xi32>,
      %parallel_loop3A_171 = tpu.vector_load_idx %arg5[%parallel_loop3A_170] : memref<16xf32, #tpu.memory_space<vmem>>[vector<16xi32>], vector<16xf32>,
      %parallel_loop3A_172 = arith.constant 0 : i32
      %parallel_loop3A_173 = tpu.memref_slice %arg9[%parallel_loop3A_99, %parallel_loop3A_172] : memref<128x128xf32, #tpu.memory_space<vmem>> -> memref<1x128xf32, #tpu.memory_space<vmem>>
      %parallel_loop3A_174 = tpu.memref_squeeze %parallel_loop3A_173 : memref<1x128xf32, #tpu.memory_space<vmem>> -> memref<128xf32, #tpu.memory_space<vmem>>
      %parallel_loop3A_175 = arith.constant 96 : index
      %parallel_loop3A_176 = tpu.vector_load %parallel_loop3A_174[%parallel_loop3A_175] {strides = array<i32>} : memref<128xf32, #tpu.memory_space<vmem>>, vector<16xf32>,
      tpu.vector_store %parallel_loop3A_174[%parallel_loop3A_175], %parallel_loop3A_171 {strides = array<i32>} : memref<128xf32, #tpu.memory_space<vmem>>, vector<16xf32>,
      %parallel_loop3A_177 = arith.constant 0 : i32
      %parallel_loop3A_178 = tpu.memref_slice %arg7[%parallel_loop3A_99, %parallel_loop3A_177] : memref<128x128xi32, #tpu.memory_space<vmem>> -> memref<1x128xi32, #tpu.memory_space<vmem>>
      %parallel_loop3A_179 = tpu.memref_squeeze %parallel_loop3A_178 : memref<1x128xi32, #tpu.memory_space<vmem>> -> memref<128xi32, #tpu.memory_space<vmem>>
      %parallel_loop3A_180 = arith.constant 112 : index
      %parallel_loop3A_181 = tpu.vector_load %parallel_loop3A_179[%parallel_loop3A_180] {strides = array<i32>} : memref<128xi32, #tpu.memory_space<vmem>>, vector<16xi32>,
      %parallel_loop3A_182 = tpu.vector_load_idx %arg5[%parallel_loop3A_181] : memref<16xf32, #tpu.memory_space<vmem>>[vector<16xi32>], vector<16xf32>,
      %parallel_loop3A_183 = arith.constant 0 : i32
      %parallel_loop3A_184 = tpu.memref_slice %arg9[%parallel_loop3A_99, %parallel_loop3A_183] : memref<128x128xf32, #tpu.memory_space<vmem>> -> memref<1x128xf32, #tpu.memory_space<vmem>>
      %parallel_loop3A_185 = tpu.memref_squeeze %parallel_loop3A_184 : memref<1x128xf32, #tpu.memory_space<vmem>> -> memref<128xf32, #tpu.memory_space<vmem>>
      %parallel_loop3A_186 = arith.constant 112 : index
      %parallel_loop3A_187 = tpu.vector_load %parallel_loop3A_185[%parallel_loop3A_186] {strides = array<i32>} : memref<128xf32, #tpu.memory_space<vmem>>, vector<16xf32>,
      tpu.vector_store %parallel_loop3A_185[%parallel_loop3A_186], %parallel_loop3A_182 {strides = array<i32>} : memref<128xf32, #tpu.memory_space<vmem>>, vector<16xf32>,
    } {sc.loop_unroll_factor = 4 : i64, sc.parallel_access}
    %add3A_84 = arith.constant 384 : i32
    %add3A_85 = arith.addi %mul3A_2, %add3A_84 : i32
    %multiple_of3A_86 = tpu.assume_multiple %add3A_85, 8 : i32
    %dma_start3A_87 = arith.constant 0 : i32
    %dma_start3A_88 = tpu.memref_slice %arg4[%multiple_of3A_86, %dma_start3A_87] : memref<16384x200xf32, #tpu.memory_space<hbm>> -> memref<128x128xf32, #tpu.memory_space<hbm>>
    %dma_start3A_89 = arith.constant 0 : i32
    %dma_start3A_90 = tpu.memref_slice %arg4[%multiple_of3A_86, %dma_start3A_89] : memref<16384x200xf32, #tpu.memory_space<hbm>> -> memref<128x128xf32, #tpu.memory_space<hbm>>
    tpu.enqueue_dma source(%arg9 : memref<128x128xf32, #tpu.memory_space<vmem>>) target(%dma_start3A_90 : memref<128x128xf32, #tpu.memory_space<hbm>>) target_semaphore(%arg13 : memref<!tpu.dma_semaphore, #tpu.memory_space<semaphore_mem>>)
    %dma_wait3A_91 = arith.constant 0 : i32
    %dma_wait3A_92 = tpu.memref_slice %arg4[%multiple_of3A_68, %dma_wait3A_91] : memref<16384x200xf32, #tpu.memory_space<hbm>> -> memref<128x128xf32, #tpu.memory_space<hbm>>
    %dma_wait3A_93 = arith.constant 0 : i32
    %dma_wait3A_94 = tpu.memref_slice %arg4[%multiple_of3A_68, %dma_wait3A_93] : memref<16384x200xf32, #tpu.memory_space<hbm>> -> memref<128x128xf32, #tpu.memory_space<hbm>>
    tpu.wait_dma2 semaphore(%arg12 : memref<!tpu.dma_semaphore, #tpu.memory_space<semaphore_mem>>) src(%arg8 : memref<128x128xf32, #tpu.memory_space<vmem>>) dst(%dma_wait3A_94 : memref<128x128xf32, #tpu.memory_space<hbm>>)
    %dma_wait3A_95 = arith.constant 0 : i32
    %dma_wait3A_96 = tpu.memref_slice %arg4[%multiple_of3A_86, %dma_wait3A_95] : memref<16384x200xf32, #tpu.memory_space<hbm>> -> memref<128x128xf32, #tpu.memory_space<hbm>>
    %dma_wait3A_97 = arith.constant 0 : i32
    %dma_wait3A_98 = tpu.memref_slice %arg4[%multiple_of3A_86, %dma_wait3A_97] : memref<16384x200xf32, #tpu.memory_space<hbm>> -> memref<128x128xf32, #tpu.memory_space<hbm>>
    tpu.wait_dma2 semaphore(%arg13 : memref<!tpu.dma_semaphore, #tpu.memory_space<semaphore_mem>>) src(%arg9 : memref<128x128xf32, #tpu.memory_space<vmem>>) dst(%dma_wait3A_98 : memref<128x128xf32, #tpu.memory_space<hbm>>)
    return
  }
}

module attributes {stable_mosaic.version = 14 : i64} {
  func.func @_tc_body(%arg0: i32, %arg1: memref<4096x128xi32, #tpu.memory_space<vmem>>, %arg2: memref<5x1xf32, #tpu.memory_space<vmem>>, %arg3: memref<16384x200xf32, #tpu.memory_space<any>>, %arg4: memref<4096x128xf32, #tpu.memory_space<vmem>>) attributes {dimension_semantics = [#tpu.dimension_semantics<arbitrary>], iteration_bounds = array<i64: 4>, scalar_prefetch = 0 : i64, scratch_operands = 0 : i64, tpu.core_type = #tpu.core_type<tc>, window_params = [{transform_indices = @transform_0, window_bounds = array<i64: 4096, 128>}, {pipeline_mode = #tpu.pipeline_mode<synchronous>, transform_indices = @transform_1, window_bounds = array<i64: 5, 1>}, {}, {transform_indices = @transform_3, window_bounds = array<i64: 4096, 128>}]} {
    %get3A = arith.constant 0 : index
    %get3A_0 = arith.constant 0 : index
    %get3A_1 = vector.load %arg1[%get3A, %get3A_0] : memref<4096x128xi32, #tpu.memory_space<vmem>>, vector<4096x128xi32>
    %get3A_2 = arith.constant 1 : index
    %get3A_3 = arith.constant 0 : index
    %get3A_4 = vector.load %arg2[%get3A_2, %get3A_3] : memref<5x1xf32, #tpu.memory_space<vmem>>, vector<1x1xf32>
    %get3A_5 = vector.extract %get3A_4[0, 0] : f32 from vector<1x1xf32>
    %get3A_6 = arith.constant 2 : index
    %get3A_7 = arith.constant 0 : index
    %get3A_8 = vector.load %arg2[%get3A_6, %get3A_7] : memref<5x1xf32, #tpu.memory_space<vmem>>, vector<1x1xf32>
    %get3A_9 = vector.extract %get3A_8[0, 0] : f32 from vector<1x1xf32>
    %get3A_10 = arith.constant 3 : index
    %get3A_11 = arith.constant 0 : index
    %get3A_12 = vector.load %arg2[%get3A_10, %get3A_11] : memref<5x1xf32, #tpu.memory_space<vmem>>, vector<1x1xf32>
    %get3A_13 = vector.extract %get3A_12[0, 0] : f32 from vector<1x1xf32>
    %get3A_14 = arith.constant 4 : index
    %get3A_15 = arith.constant 0 : index
    %get3A_16 = vector.load %arg2[%get3A_14, %get3A_15] : memref<5x1xf32, #tpu.memory_space<vmem>>, vector<1x1xf32>
    %get3A_17 = vector.extract %get3A_16[0, 0] : f32 from vector<1x1xf32>
    %eq3A = arith.constant 1 : i32
    %eq3A_18 = vector.broadcast %eq3A : i32 to vector<4096x128xi32>
    %eq3A_19 = arith.cmpi eq, %get3A_1, %eq3A_18 : vector<4096x128xi32>
    %eq3A_20 = arith.constant 2 : i32
    %eq3A_21 = vector.broadcast %eq3A_20 : i32 to vector<4096x128xi32>
    %eq3A_22 = arith.cmpi eq, %get3A_1, %eq3A_21 : vector<4096x128xi32>
    %eq3A_23 = arith.constant 3 : i32
    %eq3A_24 = vector.broadcast %eq3A_23 : i32 to vector<4096x128xi32>
    %eq3A_25 = arith.cmpi eq, %get3A_1, %eq3A_24 : vector<4096x128xi32>
    %eq3A_26 = arith.constant 4 : i32
    %eq3A_27 = vector.broadcast %eq3A_26 : i32 to vector<4096x128xi32>
    %eq3A_28 = arith.cmpi eq, %get3A_1, %eq3A_27 : vector<4096x128xi32>
    %jit3A = arith.constant 0.000000e+00 : f32
    %broadcast_in_dim3A = vector.broadcast %get3A_17 : f32 to vector<4096x128xf32>
    %broadcast_in_dim3A_29 = vector.broadcast %jit3A : f32 to vector<4096x128xf32>
    %select_n3A = arith.select %eq3A_28, %broadcast_in_dim3A, %broadcast_in_dim3A_29 : vector<4096x128xi1>, vector<4096x128xf32>
    %broadcast_in_dim3A_30 = vector.broadcast %get3A_13 : f32 to vector<4096x128xf32>
    %select_n3A_31 = arith.select %eq3A_25, %broadcast_in_dim3A_30, %select_n3A : vector<4096x128xi1>, vector<4096x128xf32>
    %broadcast_in_dim3A_32 = vector.broadcast %get3A_9 : f32 to vector<4096x128xf32>
    %select_n3A_33 = arith.select %eq3A_22, %broadcast_in_dim3A_32, %select_n3A_31 : vector<4096x128xi1>, vector<4096x128xf32>
    %broadcast_in_dim3A_34 = vector.broadcast %get3A_5 : f32 to vector<4096x128xf32>
    %select_n3A_35 = arith.select %eq3A_19, %broadcast_in_dim3A_34, %select_n3A_33 : vector<4096x128xi1>, vector<4096x128xf32>
    %swap3A = arith.constant 0 : index
    %swap3A_36 = arith.constant 0 : index
    %swap3A_37 = vector.load %arg4[%swap3A, %swap3A_36] : memref<4096x128xf32, #tpu.memory_space<vmem>>, vector<4096x128xf32>
    tpu.vector_store %arg4[%swap3A, %swap3A_36], %select_n3A_35 {strides = array<i32>} : memref<4096x128xf32, #tpu.memory_space<vmem>>, vector<4096x128xf32>,
    return
  }
  func.func @transform_0(%arg0: i32) -> (i32, i32) {
    %c1_i32 = arith.constant 1 : i32
    %c0_i32 = arith.constant 0 : i32
    return %arg0, %c1_i32 : i32, i32
  }
  func.func @transform_1(%arg0: i32) -> (i32, i32) {
    %c0_i32 = arith.constant 0 : i32
    %c0_i32_0 = arith.constant 0 : i32
    %c0_i32_1 = arith.constant 0 : i32
    return %c0_i32, %c0_i32_0 : i32, i32
  }
  func.func @transform_3(%arg0: i32) -> (i32, i32) {
    %c1_i32 = arith.constant 1 : i32
    %c0_i32 = arith.constant 0 : i32
    return %arg0, %c1_i32 : i32, i32
  }
}

</mosaic_0001>

<sc_bundles>
// kernel: _lookup.4.cloned.1.call-start
scs
__scs_entry_jumppad:
0x0: {  	(pc) =	sbr.rel $0x88, $3  }
0x1: {  	(tag) =	ssettag $0x0;
	lr =	simm.s32 $0x1  }
0x2: {  	[smem:$0x3F9E] =	sst lr;
	_ =	strace $0xD0000000  }
0x3: {  	_ = 	snop  }
0x4: {  	_ = 	snop  }
0x5: {  	_ = 	snop  }
0x6: {  	_ = 	snop  }
0x7: {  	_ = 	snop  }
__scs_overlays_trampoline_lowered:
0x8: {  	[smem:$0x3FAD] =	sst s0  }
0x9: {  	[smem:$0x3FAE] =	sst s1  }
0xa: {  	[smem:$0x3FAF] =	sst s2  }
0xb: {  	[smem:$0x3FB0] =	sst s3  }
0xc: {  	[smem:$0x3FB1] =	sst s4  }
0xd: {  	[smem:$0x3FB2] =	sst s5  }
0xe: {  	[smem:$0x3FB3] =	sst s6  }
0xf: {  	[smem:$0x3FB4] =	sst s7  }
0x10: {  	[smem:$0x3FB5] =	sst s8  }
0x11: {  	[smem:$0x3FB6] =	sst s9;
	s0 =	simm.s32 @!p0 $0x0  }
0x12: {  	s1 =	sld [smem:$0x3F9C];
	s0 =	simm.s32 @p0 $0x1  }
0x13: {  	[smem:$0x3FB7] =	sst s0;
	s0 =	simm.s32 @!p1 $0x0  }
0x14: {  	s2 =	sld [smem:$0x3F9B];
	s0 =	simm.s32 @p1 $0x1  }
0x15: {  	[smem:$0x3FB8] =	sst s0;
	s0 =	simm.s32 @!p2 $0x0  }
0x16: {  	s3 =	sld [smem:$0x3FDB];
	s0 =	simm.s32 @p2 $0x1  }
0x17: {  	s4 =	simm.s32 $0x1BF5;
	[smem:$0x3FBA] =	sst s0  }
0x18: {  	s0 =	sld [smem:$0x3F9D];
	_ =	swait.ge [sflag:s4], $0x0  }
0x19: {  	s7 =	sld [smem:$0x3F9E]  }
0x1a: {  	s8 =	sadd.s32 $0xFFFFE003, lr  }
0x1b: {  	s9 =	sadd.s32 $0xFFFFFEF7, lr;
	s5 =	simm.s32 $0xFFFFFFFF;
	p2 =	slt.u32 s8, $0xFFFFF086  }
0x1c: {  	p1 =	slt.u32 s9, $0xF7A;
	s5 =	simm.s32 @!p2 $0x0  }
0x1d: {  	s5 =	simm.s32 @p1 $0x1;
	p0 =	seq.s32 s7, s2  }
0x1e: {  	s7 =	smul.u32 @!p0 $0xF7A, s2;
	p2 =	seq.s32 @!p0 s5, $0x0  }
0x1f: {  	s9 =	smul.u32 $0xF7A, s1;
	s8 =	simm.s32 @!p0 $0x1BF5;
	p2 =	por !p2, p0  }
0x20: {  	[sflag:s8] =	ssyncset.s32 @!p0 $0xFFFFF086;
	s6 =	sadd.s32 @!p0 s3, s7;
	s7 =	simm.s32 @!p0 $0x108  }
0x21: {  	s3 =	sadd.s32 s3, s9;
	s6 =	sadd.s32 @!p0 $0x88, s6;
	s7 =	simm.s32 @p2 $0x1082  }
0x22: {  	[simem:s7], [sflag:s8] =	dma.local @!p0 [hbm:s6], $0xF7A  }
0x23: {  	s9 =	sor.u32 $0xD0000000, s2;
	s6 =	simm.s32 $0x108;
	_ =	swait.ge @!p0 [sflag:s8], $0x0  }
0x24: {  	s3 =	sadd.s32 $0x88, s3;
	s6 =	simm.s32 @!p1 $0x1082;
	[sflag:s4] =	ssyncset.s32 $0xFFFFF086  }
0x25: {  	[simem:s6], [sflag:s4] =	dma.local [hbm:s3], $0xF7A  }
0x26: {  	[smem:$0x3F9E] =	sst s1;
	(tag) =	ssettag s2;
	_ =	strace s9  }
0x27: {  	s1 =	sld [smem:$0x3FAE]  }
0x28: {  	s2 =	sld [smem:$0x3FAF]  }
0x29: {  	s4 =	sld [smem:$0x3FB1]  }
0x2a: {  	p0 =	seq.s32 s5, $0x0;
	s5 =	sld [smem:$0x3FB2]  }
0x2b: {  	s6 =	sld [smem:$0x3FB3]  }
0x2c: {  	s7 =	sld [smem:$0x3FB4]  }
0x2d: {  	s3 =	simm.s32 $0x108;
	s8 =	sld [smem:$0x3FB5]  }
0x2e: {  	s3 =	simm.s32 @!p0 $0x1082;
	s9 =	sld [smem:$0x3FB6]  }
0x2f: {  	lr =	sadd.s32 s0, s3;
	s0 =	sld [smem:$0x3FAD]  }
0x30: {  	s3 =	sld [smem:$0x3FB0]  }
0x31: {  	[smem:$0x3FB9] =	sst s10  }
0x32: {  	s10 =	sld [smem:$0x3FB7];
	_ =	sdelay $0x3  }
0x33: {  	p0 =	seq.s32 s10, $0x1;
	s10 =	sld [smem:$0x3FB9];
	_ =	sdelay $0x3  }
0x34: {  	[smem:$0x3FB9] =	sst s10  }
0x35: {  	s10 =	sld [smem:$0x3FB8];
	_ =	sdelay $0x3  }
0x36: {  	p1 =	seq.s32 s10, $0x1;
	s10 =	sld [smem:$0x3FB9];
	_ =	sdelay $0x3  }
0x37: {  	[smem:$0x3FB9] =	sst s10  }
0x38: {  	s10 =	sld [smem:$0x3FBA]  }
0x39: {  	_ = 	snop;
	(pc) =	sbr.ind lr, $3  }
0x3a: {  	_ = 	snop  }
0x3b: {  	_ = 	snop  }
0x3c: {  	p2 =	seq.s32 s10, $0x1;
	s10 =	sld [smem:$0x3FB9]  }
0x3d: {  	_ =	shalt  }
0x3e: {  	_ =	shalt  }
0x3f: {  	_ =	shalt  }
0x40: {  	_ =	shalt  }
0x41: {  	_ =	shalt  }
0x42: {  	_ =	shalt  }
0x43: {  	_ =	shalt  }
0x44: {  	_ =	shalt  }
0x45: {  	_ =	shalt  }
0x46: {  	_ =	shalt  }
0x47: {  	_ =	shalt  }
0x48: {  	_ =	shalt  }
0x49: {  	_ =	shalt  }
0x4a: {  	_ =	shalt  }
0x4b: {  	_ =	shalt  }
0x4c: {  	_ =	shalt  }
0x4d: {  	_ =	shalt  }
0x4e: {  	_ =	shalt  }
0x4f: {  	_ =	shalt  }
0x50: {  	_ =	shalt  }
0x51: {  	_ =	shalt  }
0x52: {  	_ =	shalt  }
0x53: {  	_ =	shalt  }
0x54: {  	_ =	shalt  }
0x55: {  	_ =	shalt  }
0x56: {  	_ =	shalt  }
0x57: {  	_ =	shalt  }
0x58: {  	_ =	shalt  }
0x59: {  	_ =	shalt  }
0x5a: {  	_ =	shalt  }
0x5b: {  	_ =	shalt  }
0x5c: {  	_ =	shalt  }
0x5d: {  	_ =	shalt  }
0x5e: {  	_ =	shalt  }
0x5f: {  	_ =	shalt  }
0x60: {  	_ =	shalt  }
0x61: {  	_ =	shalt  }
0x62: {  	_ =	shalt  }
0x63: {  	_ =	shalt  }
0x64: {  	_ =	shalt  }
0x65: {  	_ =	shalt  }
0x66: {  	_ =	shalt  }
0x67: {  	_ =	shalt  }
0x68: {  	_ =	shalt  }
0x69: {  	_ =	shalt  }
0x6a: {  	_ =	shalt  }
0x6b: {  	_ =	shalt  }
0x6c: {  	_ =	shalt  }
0x6d: {  	_ =	shalt  }
0x6e: {  	_ =	shalt  }
0x6f: {  	_ =	shalt  }
0x70: {  	_ =	shalt  }
0x71: {  	_ =	shalt  }
0x72: {  	_ =	shalt  }
0x73: {  	_ =	shalt  }
0x74: {  	_ =	shalt  }
0x75: {  	_ =	shalt  }
0x76: {  	_ =	shalt  }
0x77: {  	_ =	shalt  }
0x78: {  	_ =	shalt  }
0x79: {  	_ =	shalt  }
0x7a: {  	_ =	shalt  }
0x7b: {  	_ =	shalt  }
0x7c: {  	_ =	shalt  }
0x7d: {  	_ =	shalt  }
0x7e: {  	_ =	shalt  }
0x7f: {  	_ =	shalt  }
0x80: {  	_ =	shalt  }
0x81: {  	_ =	shalt  }
0x82: {  	_ =	shalt  }
0x83: {  	_ =	shalt  }
0x84: {  	_ =	shalt  }
0x85: {  	_ =	shalt  }
0x86: {  	_ =	shalt  }
0x87: {  	_ =	shalt  }
.Lfunc_end0:
.L_simem_size_0:
called_computation_lowered:
.L_overlay_start_0:
0x88: {  	s2 =	sld [smem:$0x3FD9]  }
0x89: {  	s3 =	sld [smem:$0x3FFE];
	_ =	sdelay $0x1  }
0x8a: {  	s1 =	srdreg.scid  }
0x8b: {  	s0 =	sand.u32 $0x1, s1  }
0x8c: {  	s17 =	sshll.u32 s0, $0xA;
	s2 =	sadd.s32 s3, s2  }
0x8d: {  	s2 =	sadd.s32 s2, s17  }
0x8e: {  	[smem:$0x3FC5] =	sst s2  }
0x8f: {  	_ = 	snop  }
0x90: {  	s2 =	sld [smem:$0x3FC7];
	(tm) =	ssettm $0x1  }
0x91: {  	s18 =	sld [smem:$0x3FFB];
	_ =	sdelay $0x3  }
0x92: {  	_ =	strace s18  }
0x93: {  	s3 =	sld [smem:$0x3FFC];
	_ =	sdelay $0x3  }
0x94: {  	_ =	strace s3  }
0x95: {  	s3 =	sld [smem:$0x3FFD];
	_ =	sdelay $0x3  }
0x96: {  	_ =	strace s3  }
0x97: {  	_ =	strace $0x8FFFFFFF  }
0x98: {  	s19 =	sld [smem:$0x3FDB];
	_ =	sdelay $0x1  }
0x99: {  	s4 =	simm.s32 $_scs_section_size  }
0x9a: {  	s5 =	simm.s32 $_size__tile_overlayer_lowered;
	s6 =	simm.s32 $_tile_overlayer_lowered  }
0x9b: {  	s22 =	simm.s32 $0x1BFF;
	s21 =	sshll.u32 s6, $0x1;
	s3 =	sadd.s32 s4, s19  }
0x9c: {  	s7 =	simm.s32 $0x0;
	s20 =	sshll.u32 s5, $0x1;
	s5 =	sadd.s32 s21, s3  }
0x9d: {  	[timem:s7], [sflag:s22] =	dma.local [hbm:s5], s20  }
0x9e: {  	_ =	swait.ge [sflag:s22], s20  }
0x9f: {  	s4 =	ssub.s32 $0x0, s20;
	[sflag:s22] =	ssyncset.done $0x0  }
0xa0: {  	[sflag:s22] =	ssyncadd.s32 s4;
	_ =	sdelay $0x1  }
0xa1: {  	s23 =	simm.s32 $0x1B8B  }
0xa2: {  	_ =	swait.ge [sflag:s23], $0x1  }
0xa3: {  	[sflag:s23] =	ssyncset.done $0x0  }
0xa4: {  	s25 =	simm.s32 $0x1B8E;
	s24 =	sld [smem:$0x3FFE];
	[sflag:s23] =	ssyncadd.s32 $0xFFFFFFFF  }
0xa5: {  	s26 =	simm.s32 $execute0_lowered;
	[smem:$0x3FD2] =	sst s25  }
0xa6: {  	s5 =	sshll.u32 s26, $0x1;
	_ =	strace $0x80000046;
	[dreg:$0x1] =	wrdreg $0xFFFFFFFF  }
0xa7: {  	s28 =	simm.s32 $_size_execute0_lowered;
	s3 =	sadd.s32 s3, s5;
	[dreg:$0x0] =	wrdreg $0x0  }
0xa8: {  	s5 =	sshll.u32 s28, $0x1;
	[dreg:$0x2] =	wrdreg s3  }
0xa9: {  	[dreg:$0x3] =	wrdreg s5  }
0xaa: {  	[dreg:$0x4] =	wrdreg $0xC0  }
0xab: {  	_ =	task [dreg:s7], $0x5FFFF  }
0xac: {  	[dreg:$0x1] =	wrdreg $0xFFFFFFFF  }
0xad: {  	[dreg:$0x0] =	wrdreg $0x60  }
0xae: {  	[dreg:$0x2] =	wrdreg s24  }
0xaf: {  	[dreg:$0x3] =	wrdreg s2  }
0xb0: {  	[dreg:$0x4] =	wrdreg $0x9  }
0xb1: {  	_ =	task.clear_ibuf [dreg:s7], $0x5FFFF;
	_ =	strace $0x90000046  }
0xb2: {  	s29 =	simm.s32 $0x9;
	_ =	strace $0x80000048  }
0xb3: {  	_ =	swait.ge [sflag:s29], $0x1  }
0xb4: {  	[sflag:s29] =	ssyncadd.s32 $0xFFFFFFFF  }
0xb5: {  	_ =	strace $0x90000048  }
0xb6: {  	_ =	sfence  }
0xb7: {  	s30 =	sld [smem:$0x0];
	_ =	sdelay $0x2  }
0xb8: {  	s31 =	sshll.u32 s1, $0xD;
	s1 =	sshrl.u32 s1, $0x2  }
0xb9: {  	s3 =	sand.u32 $0x4000, s31;
	s1 =	sadd.s32 s1, s30  }
0xba: {  	s0 =	sor.u32 s3, s0;
	s1 =	sshll.u32 s1, $0x11  }
0xbb: {  	s0 =	sor.u32 s1, s0  }
0xbc: {  	s0 =	sadd.s32 $0x8F2B, s0  }
0xbd: {  	[sflag:s0] =	ssyncadd.remote.s32 $0x1  }
0xbe: {  	_ =	sfence.sel $0xFFFF  }
0xbf: {  	[dreg:$0x0] =	wrdreg $0xFFFFFFFF;
	(pc) =	sbr.abs _section_cstart, $3  }
0xc0: {  	[dreg:$0x1] =	wrdreg $0xFFFFFFFF  }
0xc1: {  	_ =	task.clear_ibuf [dreg:s7], $0x2FFFF;
	_ =	strace $0x9FFFFFFF  }
0xc2: {  	(tm) =	ssettm $0x7FFFFFFF  }
0xc3: {  	_ =	shalt  }
tec
execute0_lowered:
.L_overlay_start_1:
0x0: {  	(tag) =	ssettag $0x1  }
0x1: {  	s4 =	rddreg [dreg:$0x0]  }
0x2: {  	s1 =	rddreg [dreg:$0x1]  }
0x3: {  	s0 =	rddreg [dreg:$0x2];
	s3 =	simm.s32 $0x0;
	s5 =	srdreg.scid  }
0x4: {  	s2 =	stileid.u32;
	s14 =	simm.s32 $0x400;
	s15 =	simm.s32 $0x800  }
0x5: {  	s16 =	simm.s32 $0x80;
	s17 =	simm.s32 $0x4080;
	s18 =	simm.s32 $0x1  }
0x6: {  	s19 =	simm.s32 $0x8080;
	s20 =	simm.s32 $0x2;
	s21 =	simm.s32 $0xC080  }
0x7: {  	s22 =	simm.s32 $0x3;
	s23 =	simm.s32 $0x4;
	s24 =	simm.s32 $0x0  }
0x8: {  	[smem:$0x7FF] =	sst s3;
	s5 =	sand.u32 $0x1, s5;
	s6 =	sshll.u32 s2, $0xF  }
0x9: {  	s9 =	sadd.s32 $0x800, s4;
	s7 =	sshll.u32 s5, $0xE;
	s5 =	ssub.s32 $0x2, s5  }
0xa: {  	s11 =	sadd.s32 $0x80800, s4;
	s7 =	sor.u32 s7, s6;
	s31 =	sshrl.u32 s5, $0x1  }
0xb: {  	_ =	strace $0x80000047;
	s8 =	sor.u32 $0x1000, s7;
	s12 =	ssub.s32 s5, s31  }
0xc: {  	s4 =	sadd.s32 s9, s7;
	s6 =	sadd.s32 s11, s7;
	s10 =	sor.u32 $0x2000, s7  }
0xd: {  	s13 =	sor.u32 $0x3000, s7;
	s5 =	sadd.s32 s9, s8;
	s7 =	sadd.s32 s9, s10  }
0xe: {  	s8 =	sadd.s32 s11, s8;
	s9 =	sadd.s32 s9, s13;
	s10 =	sadd.s32 s11, s10  }
0xf: {  	s11 =	sadd.s32 s11, s13;
	s12 =	smax.u32 s12, $0x1;
	s13 =	simm.s32 $0x5  }
.LBB2_1:
0x10: {  	[tilespmem:s3], [sflag:$0x5] =	stream.linear.gather [hbm4b:s1+s3], $0x80, $0x38;
	[tilespmem:$0x10080] =	vst v63  }
0x11: {  	_ =	swait.ge [sflag:s13], $0x80  }
0x12: {  	[sflag:s13] =	ssyncset.done $0x0  }
0x13: {  	[sflag:s13] =	ssyncadd.s32 $0xFFFFFF80  }
0x14: {  	[tilespmem:s16], [sflag:$0x1] =	stream.strided.gather [hbm4b:s4+s14], $0x4000, s15, s14, $0x38;
	[tilespmem:$0x10080] =	vst v63  }
0x15: {  	_ = 	snop  }
0x16: {  	[tilespmem:s17], [sflag:$0x2] =	stream.strided.gather [hbm4b:s5+s14], $0x4000, s15, s14, $0x38;
	[tilespmem:$0x10080] =	vst v63  }
0x17: {  	_ =	swait.ge [sflag:s18], $0x4000  }
0x18: {  	[sflag:s18] =	ssyncset.done $0x0  }
0x19: {  	s29 =	simm.s32 $0x180;
	[sflag:s18] =	ssyncadd.s32 $0xFFFFC000  }
0x1a: {  	v0 =	vld [tilespmem:s29+$0x80]  }
0x1b: {  	v1 =	vld [tilespmem:s29+$0xFFFFFF80]  }
0x1c: {  	v2 =	vld [tilespmem:s29+$0x0];
	_ =	sdelay $0x2  }
0x1d: {  	v3 =	vld [tilespmem:s29+$0xFFFFFF00];
	_ =	sdelay $0x2  }
0x1e: {  	v0 =	vld.idx.msk [tilespmem:v0+s3+$0x0], $0xffff  }
0x1f: {  	v1 =	vld.idx.msk [tilespmem:v1+s3+$0x0], $0xffff  }
0x20: {  	v2 =	vld.idx.msk [tilespmem:v2+s3+$0x0], $0xffff;
	_ =	sdelay $0x1  }
0x21: {  	s25 =	simm.s32 $0x8180  }
0x22: {  	v3 =	vld.idx.msk [tilespmem:v3+s3+$0x0], $0xffff;
	[tilespmem:s25+$0x80] =	vst v0  }
0x23: {  	[tilespmem:s25+$0xFFFFFF80] =	vst v1;
	v0 =	vld [tilespmem:s29+$0x90]  }
0x24: {  	[tilespmem:s25+$0x0] =	vst v2;
	v1 =	vld [tilespmem:s29+$0xFFFFFF90]  }
0x25: {  	v2 =	vld [tilespmem:s29+$0x10];
	_ =	sdelay $0x1  }
0x26: {  	[tilespmem:s25+$0xFFFFFF00] =	vst v3  }
0x27: {  	v3 =	vld [tilespmem:s29+$0xFFFFFF10];
	_ =	sdelay $0x2  }
0x28: {  	v0 =	vld.idx.msk [tilespmem:v0+s3+$0x0], $0xffff  }
0x29: {  	v1 =	vld.idx.msk [tilespmem:v1+s3+$0x0], $0xffff  }
0x2a: {  	v2 =	vld.idx.msk [tilespmem:v2+s3+$0x0], $0xffff;
	_ =	sdelay $0x2  }
0x2b: {  	v3 =	vld.idx.msk [tilespmem:v3+s3+$0x0], $0xffff;
	[tilespmem:s25+$0x90] =	vst v0  }
0x2c: {  	[tilespmem:s25+$0xFFFFFF90] =	vst v1;
	v0 =	vld [tilespmem:s29+$0xA0]  }
0x2d: {  	[tilespmem:s25+$0x10] =	vst v2;
	v1 =	vld [tilespmem:s29+$0xFFFFFFA0]  }
0x2e: {  	v2 =	vld [tilespmem:s29+$0x20];
	_ =	sdelay $0x1  }
0x2f: {  	[tilespmem:s25+$0xFFFFFF10] =	vst v3  }
0x30: {  	v3 =	vld [tilespmem:s29+$0xFFFFFF20]  }
0x31: {  	s26 =	simm.s32 $0x380  }
0x32: {  	v4 =	vld [tilespmem:s26+$0x80]  }
0x33: {  	v0 =	vld.idx.msk [tilespmem:v0+s3+$0x0], $0xffff  }
0x34: {  	v1 =	vld.idx.msk [tilespmem:v1+s3+$0x0], $0xffff  }
0x35: {  	v2 =	vld.idx.msk [tilespmem:v2+s3+$0x0], $0xffff;
	_ =	sdelay $0x1  }
0x36: {  	v5 =	vld [tilespmem:s26+$0xFFFFFF80]  }
0x37: {  	v3 =	vld.idx.msk [tilespmem:v3+s3+$0x0], $0xffff;
	[tilespmem:s25+$0xA0] =	vst v0  }
0x38: {  	[tilespmem:s25+$0xFFFFFFA0] =	vst v1;
	v0 =	vld [tilespmem:s29+$0xB0]  }
0x39: {  	[tilespmem:s25+$0x20] =	vst v2;
	v1 =	vld [tilespmem:s29+$0xFFFFFFB0]  }
0x3a: {  	v2 =	vld [tilespmem:s29+$0x30];
	_ =	sdelay $0x1  }
0x3b: {  	v4 =	vld.idx.msk [tilespmem:v4+s3+$0x0], $0xffff;
	[tilespmem:s25+$0xFFFFFF20] =	vst v3  }
0x3c: {  	v3 =	vld [tilespmem:s29+$0xFFFFFF30]  }
0x3d: {  	v5 =	vld.idx.msk [tilespmem:v5+s3+$0x0], $0xffff  }
0x3e: {  	v6 =	vld [tilespmem:s26+$0x0]  }
0x3f: {  	v0 =	vld.idx.msk [tilespmem:v0+s3+$0x0], $0xffff  }
0x40: {  	s28 =	simm.s32 $0x8380;
	v1 =	vld.idx.msk [tilespmem:v1+s3+$0x0], $0xffff  }
0x41: {  	[tilespmem:s28+$0x80] =	vst v4;
	v2 =	vld.idx.msk [tilespmem:v2+s3+$0x0], $0xffff  }
0x42: {  	[tilespmem:s28+$0xFFFFFF80] =	vst v5;
	v4 =	vld [tilespmem:s26+$0x90]  }
0x43: {  	v5 =	vld [tilespmem:s26+$0xFFFFFF90]  }
0x44: {  	v3 =	vld.idx.msk [tilespmem:v3+s3+$0x0], $0xffff;
	[tilespmem:s25+$0xB0] =	vst v0  }
0x45: {  	[tilespmem:s25+$0xFFFFFFB0] =	vst v1;
	v0 =	vld [tilespmem:s29+$0xC0]  }
0x46: {  	[tilespmem:s25+$0x30] =	vst v2;
	v1 =	vld [tilespmem:s29+$0xFFFFFFC0]  }
0x47: {  	v2 =	vld [tilespmem:s29+$0x40]  }
0x48: {  	v7 =	vld [tilespmem:s26+$0xFFFFFF00]  }
0x49: {  	v6 =	vld.idx.msk [tilespmem:v6+s3+$0x0], $0xffff  }
0x4a: {  	v4 =	vld.idx.msk [tilespmem:v4+s3+$0x0], $0xffff;
	[tilespmem:s25+$0xFFFFFF30] =	vst v3  }
0x4b: {  	v3 =	vld [tilespmem:s29+$0xFFFFFF40]  }
0x4c: {  	v5 =	vld.idx.msk [tilespmem:v5+s3+$0x0], $0xffff  }
0x4d: {  	v0 =	vld.idx.msk [tilespmem:v0+s3+$0x0], $0xffff  }
0x4e: {  	v1 =	vld.idx.msk [tilespmem:v1+s3+$0x0], $0xffff  }
0x4f: {  	[tilespmem:s28+$0x0] =	vst v6;
	v2 =	vld.idx.msk [tilespmem:v2+s3+$0x0], $0xffff  }
0x50: {  	[tilespmem:s28+$0x90] =	vst v4  }
0x51: {  	v7 =	vld.idx.msk [tilespmem:v7+s3+$0x0], $0xffff;
	[tilespmem:s28+$0xFFFFFF90] =	vst v5  }
0x52: {  	v5 =	vld [tilespmem:s26+$0xA0];
	[tilespmem:s25+$0xC0] =	vst v0  }
0x53: {  	[tilespmem:s25+$0xFFFFFFC0] =	vst v1;
	v1 =	vld.idx.msk [tilespmem:v3+s3+$0x0], $0xffff  }
0x54: {  	[tilespmem:s25+$0x40] =	vst v2;
	v2 =	vld [tilespmem:s26+$0x10]  }
0x55: {  	v0 =	vld [tilespmem:s29+$0xD0]  }
0x56: {  	v3 =	vld [tilespmem:s29+$0xFFFFFFD0]  }
0x57: {  	[tilespmem:s28+$0xFFFFFF00] =	vst v7;
	v6 =	vld [tilespmem:s29+$0x50]  }
0x58: {  	[tilespmem:s25+$0xFFFFFF40] =	vst v1;
	v1 =	vld [tilespmem:s26+$0xFFFFFF10]  }
0x59: {  	v7 =	vld [tilespmem:s29+$0xFFFFFF50];
	_ =	sdelay $0x1  }
0x5a: {  	v5 =	vld.idx.msk [tilespmem:v5+s3+$0x0], $0xffff  }
0x5b: {  	v2 =	vld.idx.msk [tilespmem:v2+s3+$0x0], $0xffff  }
0x5c: {  	v0 =	vld.idx.msk [tilespmem:v0+s3+$0x0], $0xffff  }
0x5d: {  	v3 =	vld.idx.msk [tilespmem:v3+s3+$0x0], $0xffff  }
0x5e: {  	v6 =	vld.idx.msk [tilespmem:v6+s3+$0x0], $0xffff  }
0x5f: {  	v1 =	vld.idx.msk [tilespmem:v1+s3+$0x0], $0xffff  }
0x60: {  	v4 =	vld.idx.msk [tilespmem:v7+s3+$0x0], $0xffff  }
0x61: {  	[tilespmem:s28+$0x10] =	vst v2;
	v7 =	vld [tilespmem:s26+$0xFFFFFFA0]  }
0x62: {  	[tilespmem:s25+$0xD0] =	vst v0;
	v2 =	vld [tilespmem:s26+$0x20]  }
0x63: {  	[tilespmem:s25+$0xFFFFFFD0] =	vst v3;
	v0 =	vld [tilespmem:s29+$0xE0]  }
0x64: {  	v3 =	vld [tilespmem:s29+$0xFFFFFFE0];
	[tilespmem:s28+$0xFFFFFF10] =	vst v1  }
0x65: {  	v1 =	vld [tilespmem:s26+$0xFFFFFF20];
	[tilespmem:s25+$0xFFFFFF50] =	vst v4  }
0x66: {  	[tilespmem:s28+$0xA0] =	vst v5;
	v4 =	vld [tilespmem:s29+$0xFFFFFF60]  }
0x67: {  	v5 =	vld [tilespmem:s26+$0xB0];
	[tilespmem:s25+$0x50] =	vst v6  }
0x68: {  	v6 =	vld [tilespmem:s29+$0x60]  }
0x69: {  	v7 =	vld.idx.msk [tilespmem:v7+s3+$0x0], $0xffff  }
0x6a: {  	v2 =	vld.idx.msk [tilespmem:v2+s3+$0x0], $0xffff  }
0x6b: {  	v0 =	vld.idx.msk [tilespmem:v0+s3+$0x0], $0xffff  }
0x6c: {  	v3 =	vld.idx.msk [tilespmem:v3+s3+$0x0], $0xffff  }
0x6d: {  	v1 =	vld.idx.msk [tilespmem:v1+s3+$0x0], $0xffff  }
0x6e: {  	[tilespmem:s28+$0xFFFFFFA0] =	vst v7;
	v4 =	vld.idx.msk [tilespmem:v4+s3+$0x0], $0xffff  }
0x6f: {  	[tilespmem:s28+$0x20] =	vst v2;
	v7 =	vld [tilespmem:s26+$0xFFFFFFB0]  }
0x70: {  	[tilespmem:s25+$0xE0] =	vst v0;
	v2 =	vld [tilespmem:s26+$0x30]  }
0x71: {  	v0 =	vld [tilespmem:s29+$0xF0]  }
0x72: {  	v6 =	vld.idx.msk [tilespmem:v6+s3+$0x0], $0xffff;
	[tilespmem:s28+$0xFFFFFF20] =	vst v1  }
0x73: {  	[tilespmem:s25+$0xFFFFFFE0] =	vst v3;
	v1 =	vld [tilespmem:s26+$0xFFFFFF30]  }
0x74: {  	v3 =	vld.idx.msk [tilespmem:v5+s3+$0x0], $0xffff;
	[tilespmem:s25+$0xFFFFFF60] =	vst v4  }
0x75: {  	v4 =	vld [tilespmem:s29+$0xFFFFFF70]  }
0x76: {  	v9 =	vld [tilespmem:s29+$0xFFFFFFF0]  }
0x77: {  	v5 =	vld.idx.msk [tilespmem:v7+s3+$0x0], $0xffff  }
0x78: {  	v2 =	vld.idx.msk [tilespmem:v2+s3+$0x0], $0xffff  }
0x79: {  	[tilespmem:s25+$0x60] =	vst v6;
	v8 =	vld.idx.msk [tilespmem:v0+s3+$0x0], $0xffff  }
0x7a: {  	v0 =	vld [tilespmem:s29+$0x70]  }
0x7b: {  	[tilespmem:s28+$0xB0] =	vst v3;
	v6 =	vld.idx.msk [tilespmem:v1+s3+$0x0], $0xffff  }
0x7c: {  	[tilespmem:s28+$0xFFFFFFB0] =	vst v5;
	v5 =	vld [tilespmem:s26+$0xC0]  }
0x7d: {  	v1 =	vld.idx.msk [tilespmem:v4+s3+$0x0], $0xffff  }
0x7e: {  	[tilespmem:s28+$0x30] =	vst v2;
	v2 =	vld.idx.msk [tilespmem:v9+s3+$0x0], $0xffff  }
0x7f: {  	v3 =	vld [tilespmem:s26+$0xFFFFFFC0]  }
0x80: {  	s30 =	simm.s32 $0x4;
	s31 =	simm.s32 $0x580;
	s29 =	simm.s32 $0x8380;
	v4 =	vld [tilespmem:s26+$0x40];
	[tilespmem:s25+$0xF0] =	vst v8  }
.LBB2_2:
0x81: {  	v7 =	vld [tilespmem:s31+$0x80];
	s30 =	sadd.s32 $0x4, s30;
	[tilespmem:s28+$0xFFFFFF30] =	vst v6  }
0x82: {  	v6 =	vld [tilespmem:s31+$0xFFFFFF80];
	p0 =	slt.u32 s30, $0x7C;
	[tilespmem:s25+$0xFFFFFF70] =	vst v1  }
0x83: {  	v1 =	vld [tilespmem:s31+$0x0]  }
0x84: {  	v8 =	vld [tilespmem:s31+$0xFFFFFF00]  }
0x85: {  	v5 =	vld.idx.msk [tilespmem:v5+s3+$0x0], $0xffff  }
0x86: {  	v9 =	vld [tilespmem:s26+$0xFFFFFF40];
	[tilespmem:s25+$0xFFFFFFF0] =	vst v2  }
0x87: {  	v2 =	vld.idx.msk [tilespmem:v3+s3+$0x0], $0xffff  }
0x88: {  	v3 =	vld.idx.msk [tilespmem:v4+s3+$0x0], $0xffff  }
0x89: {  	v4 =	vld.idx.msk [tilespmem:v7+s3+$0x0], $0xffff  }
0x8a: {  	v6 =	vld.idx.msk [tilespmem:v6+s3+$0x0], $0xffff  }
0x8b: {  	v1 =	vld.idx.msk [tilespmem:v1+s3+$0x0], $0xffff;
	[tilespmem:s28+$0xC0] =	vst v5  }
0x8c: {  	v5 =	vld [tilespmem:s26+$0xD0]  }
0x8d: {  	v7 =	vld.idx.msk [tilespmem:v8+s3+$0x0], $0xffff;
	[tilespmem:s28+$0xFFFFFFC0] =	vst v2  }
0x8e: {  	s28 =	sadd.s32 $0x200, s28;
	v2 =	vld.idx.msk [tilespmem:v9+s3+$0x0], $0xffff;
	[tilespmem:s29+$0x40] =	vst v3  }
0x8f: {  	[tilespmem:s28+$0x80] =	vst v4;
	v3 =	vld [tilespmem:s26+$0xFFFFFFD0]  }
0x90: {  	[tilespmem:s28+$0xFFFFFF80] =	vst v6;
	v4 =	vld [tilespmem:s31+$0x90]  }
0x91: {  	v6 =	vld [tilespmem:s31+$0xFFFFFF90];
	[tilespmem:s28+$0x0] =	vst v1  }
0x92: {  	v1 =	vld [tilespmem:s31+$0x10]  }
0x93: {  	[tilespmem:s28+$0xFFFFFF00] =	vst v7;
	v7 =	vld [tilespmem:s26+$0x50]  }
0x94: {  	[tilespmem:s29+$0xFFFFFF40] =	vst v2;
	v2 =	vld.idx.msk [tilespmem:v5+s3+$0x0], $0xffff  }
0x95: {  	v5 =	vld [tilespmem:s31+$0xFFFFFF10]  }
0x96: {  	v8 =	vld [tilespmem:s26+$0xFFFFFF50]  }
0x97: {  	v3 =	vld.idx.msk [tilespmem:v3+s3+$0x0], $0xffff  }
0x98: {  	v4 =	vld.idx.msk [tilespmem:v4+s3+$0x0], $0xffff  }
0x99: {  	v6 =	vld.idx.msk [tilespmem:v6+s3+$0x0], $0xffff  }
0x9a: {  	v1 =	vld.idx.msk [tilespmem:v1+s3+$0x0], $0xffff;
	[tilespmem:s29+$0xD0] =	vst v2  }
0x9b: {  	v2 =	vld [tilespmem:s26+$0xE0]  }
0x9c: {  	v7 =	vld.idx.msk [tilespmem:v7+s3+$0x0], $0xffff  }
0x9d: {  	v5 =	vld.idx.msk [tilespmem:v5+s3+$0x0], $0xffff;
	[tilespmem:s29+$0xFFFFFFD0] =	vst v3  }
0x9e: {  	[tilespmem:s28+$0x90] =	vst v4;
	v3 =	vld.idx.msk [tilespmem:v8+s3+$0x0], $0xffff  }
0x9f: {  	[tilespmem:s28+$0xFFFFFF90] =	vst v6;
	v4 =	vld [tilespmem:s31+$0xA0]  }
0xa0: {  	v6 =	vld [tilespmem:s31+$0xFFFFFFA0];
	[tilespmem:s28+$0x10] =	vst v1  }
0xa1: {  	v1 =	vld [tilespmem:s31+$0x20]  }
0xa2: {  	v8 =	vld [tilespmem:s26+$0xFFFFFFE0];
	[tilespmem:s29+$0x50] =	vst v7  }
0xa3: {  	[tilespmem:s28+$0xFFFFFF10] =	vst v5;
	v2 =	vld.idx.msk [tilespmem:v2+s3+$0x0], $0xffff  }
0xa4: {  	v5 =	vld [tilespmem:s31+$0xFFFFFF20];
	[tilespmem:s29+$0xFFFFFF50] =	vst v3  }
0xa5: {  	v3 =	vld [tilespmem:s26+$0xFFFFFF60]  }
0xa6: {  	v7 =	vld [tilespmem:s26+$0x60]  }
0xa7: {  	v4 =	vld.idx.msk [tilespmem:v4+s3+$0x0], $0xffff  }
0xa8: {  	v6 =	vld.idx.msk [tilespmem:v6+s3+$0x0], $0xffff  }
0xa9: {  	v1 =	vld.idx.msk [tilespmem:v1+s3+$0x0], $0xffff;
	[tilespmem:s29+$0xE0] =	vst v2  }
0xaa: {  	v2 =	vld [tilespmem:s26+$0xF0]  }
0xab: {  	v8 =	vld.idx.msk [tilespmem:v8+s3+$0x0], $0xffff  }
0xac: {  	v5 =	vld.idx.msk [tilespmem:v5+s3+$0x0], $0xffff  }
0xad: {  	[tilespmem:s28+$0xA0] =	vst v4;
	v3 =	vld.idx.msk [tilespmem:v3+s3+$0x0], $0xffff  }
0xae: {  	[tilespmem:s28+$0xFFFFFFA0] =	vst v6;
	v4 =	vld [tilespmem:s31+$0xB0]  }
0xaf: {  	v6 =	vld [tilespmem:s31+$0xFFFFFFB0];
	[tilespmem:s28+$0x20] =	vst v1  }
0xb0: {  	v1 =	vld [tilespmem:s31+$0x30]  }
0xb1: {  	[tilespmem:s29+$0xFFFFFFE0] =	vst v8;
	v7 =	vld.idx.msk [tilespmem:v7+s3+$0x0], $0xffff  }
0xb2: {  	[tilespmem:s28+$0xFFFFFF20] =	vst v5;
	v2 =	vld.idx.msk [tilespmem:v2+s3+$0x0], $0xffff  }
0xb3: {  	v5 =	vld [tilespmem:s31+$0xFFFFFF30];
	[tilespmem:s29+$0xFFFFFF60] =	vst v3  }
0xb4: {  	v3 =	vld [tilespmem:s26+$0xFFFFFF70]  }
0xb5: {  	v8 =	vld [tilespmem:s26+$0xFFFFFFF0]  }
0xb6: {  	v4 =	vld.idx.msk [tilespmem:v4+s3+$0x0], $0xffff  }
0xb7: {  	v9 =	vld.idx.msk [tilespmem:v6+s3+$0x0], $0xffff;
	[tilespmem:s29+$0x60] =	vst v7  }
0xb8: {  	v7 =	vld.idx.msk [tilespmem:v1+s3+$0x0], $0xffff;
	[tilespmem:s29+$0xF0] =	vst v2  }
0xb9: {  	v2 =	vld [tilespmem:s26+$0x70];
	s26 =	smov.u32 s31  }
0xba: {  	v10 =	vld.idx.msk [tilespmem:v0+s3+$0x0], $0xffff  }
0xbb: {  	v6 =	vld.idx.msk [tilespmem:v5+s3+$0x0], $0xffff  }
.Ltmp0:
0xbc: {  	[tilespmem:s28+$0xB0] =	vst v4;
	v1 =	vld.idx.msk [tilespmem:v3+s3+$0x0], $0xffff;
	(pc) =	sbr.rel @p0 .LBB2_2-.Ltmp0, $4  }
0xbd: {  	[tilespmem:s28+$0xFFFFFFB0] =	vst v9;
	v5 =	vld [tilespmem:s31+$0xC0]  }
0xbe: {  	v3 =	vld [tilespmem:s31+$0xFFFFFFC0];
	[tilespmem:s28+$0x30] =	vst v7;
	v0 =	vmov v2  }
0xbf: {  	v4 =	vld [tilespmem:s31+$0x40]  }
0xc0: {  	s31 =	sadd.s32 $0x200, s31;
	v2 =	vld.idx.msk [tilespmem:v8+s3+$0x0], $0xffff;
	[tilespmem:s25+$0x70] =	vst v10;
	s25 =	smov.u32 s29;
	s29 =	smov.u32 s28  }
0xc1: {  	[tilespmem:s28+$0xFFFFFF30] =	vst v6  }
0xc2: {  	v6 =	vld [tilespmem:s26+$0xFFFFFF40];
	_ =	sdelay $0x4  }
0xc3: {  	v5 =	vld.idx.msk [tilespmem:v5+s3+$0x0], $0xffff  }
0xc4: {  	v3 =	vld.idx.msk [tilespmem:v3+s3+$0x0], $0xffff  }
0xc5: {  	v4 =	vld.idx.msk [tilespmem:v4+s3+$0x0], $0xffff  }
0xc6: {  	v6 =	vld.idx.msk [tilespmem:v6+s3+$0x0], $0xffff;
	_ =	sdelay $0x1  }
0xc7: {  	[tilespmem:s28+$0xC0] =	vst v5  }
0xc8: {  	v5 =	vld [tilespmem:s26+$0xD0];
	[tilespmem:s28+$0xFFFFFFC0] =	vst v3  }
0xc9: {  	[tilespmem:s29+$0x40] =	vst v4;
	v4 =	vld [tilespmem:s26+$0xFFFFFFD0]  }
0xca: {  	[tilespmem:s29+$0xFFFFFF40] =	vst v6;
	v6 =	vld [tilespmem:s26+$0x50]  }
0xcb: {  	v3 =	vld [tilespmem:s26+$0xFFFFFF50];
	_ =	sdelay $0x4  }
0xcc: {  	v5 =	vld.idx.msk [tilespmem:v5+s3+$0x0], $0xffff  }
0xcd: {  	v4 =	vld.idx.msk [tilespmem:v4+s3+$0x0], $0xffff  }
0xce: {  	v6 =	vld.idx.msk [tilespmem:v6+s3+$0x0], $0xffff  }
0xcf: {  	v3 =	vld.idx.msk [tilespmem:v3+s3+$0x0], $0xffff;
	_ =	sdelay $0x1  }
0xd0: {  	[tilespmem:s29+$0xD0] =	vst v5  }
0xd1: {  	v5 =	vld [tilespmem:s26+$0xE0];
	[tilespmem:s29+$0xFFFFFFD0] =	vst v4  }
0xd2: {  	v4 =	vld [tilespmem:s26+$0xFFFFFFE0];
	[tilespmem:s29+$0x50] =	vst v6  }
0xd3: {  	[tilespmem:s29+$0xFFFFFF50] =	vst v3;
	v6 =	vld [tilespmem:s26+$0x60]  }
0xd4: {  	v3 =	vld [tilespmem:s26+$0xFFFFFF60];
	_ =	sdelay $0x4  }
0xd5: {  	v5 =	vld.idx.msk [tilespmem:v5+s3+$0x0], $0xffff  }
0xd6: {  	v4 =	vld.idx.msk [tilespmem:v4+s3+$0x0], $0xffff  }
0xd7: {  	v6 =	vld.idx.msk [tilespmem:v6+s3+$0x0], $0xffff  }
0xd8: {  	v3 =	vld.idx.msk [tilespmem:v3+s3+$0x0], $0xffff;
	_ =	sdelay $0x1  }
0xd9: {  	[tilespmem:s29+$0xE0] =	vst v5  }
0xda: {  	v5 =	vld [tilespmem:s26+$0xF0];
	[tilespmem:s29+$0xFFFFFFE0] =	vst v4  }
0xdb: {  	v4 =	vld [tilespmem:s26+$0xFFFFFFF0];
	[tilespmem:s29+$0x60] =	vst v6  }
0xdc: {  	[tilespmem:s29+$0xFFFFFF60] =	vst v3;
	v6 =	vld [tilespmem:s26+$0x70]  }
0xdd: {  	v3 =	vld [tilespmem:s26+$0xFFFFFF70];
	_ =	sdelay $0x3  }
0xde: {  	v0 =	vld.idx.msk [tilespmem:v0+s3+$0x0], $0xffff  }
0xdf: {  	v5 =	vld.idx.msk [tilespmem:v5+s3+$0x0], $0xffff  }
0xe0: {  	[tilespmem:s25+$0xFFFFFF70] =	vst v1;
	v1 =	vld.idx.msk [tilespmem:v4+s3+$0x0], $0xffff  }
0xe1: {  	[tilespmem:s25+$0xFFFFFFF0] =	vst v2;
	v2 =	vld.idx.msk [tilespmem:v6+s3+$0x0], $0xffff  }
0xe2: {  	v3 =	vld.idx.msk [tilespmem:v3+s3+$0x0], $0xffff  }
0xe3: {  	[tilespmem:s25+$0x70] =	vst v0  }
0xe4: {  	[tilespmem:s29+$0xF0] =	vst v5  }
0xe5: {  	[tilespmem:s29+$0xFFFFFFF0] =	vst v1  }
0xe6: {  	[tilespmem:s29+$0x70] =	vst v2  }
0xe7: {  	[tilespmem:s29+$0xFFFFFF70] =	vst v3  }
0xe8: {  	[hbm4b:s6+s14] =	stream.strided.scatter [tilespmem:s19], [sflag:$0x3], $0x4000, s15, s14, $0x38;
	[tilespmem:$0x10080] =	vst v63  }
0xe9: {  	_ = 	snop  }
0xea: {  	[tilespmem:s16], [sflag:$0x1] =	stream.strided.gather [hbm4b:s7+s14], $0x4000, s15, s14, $0x38;
	[tilespmem:$0x10080] =	vst v63  }
0xeb: {  	_ =	swait.ge [sflag:s20], $0x4000  }
0xec: {  	[sflag:s20] =	ssyncset.done $0x0  }
0xed: {  	s29 =	simm.s32 $0x4180;
	[sflag:s20] =	ssyncadd.s32 $0xFFFFC000  }
0xee: {  	v0 =	vld [tilespmem:s29+$0x80]  }
0xef: {  	v1 =	vld [tilespmem:s29+$0xFFFFFF80]  }
0xf0: {  	v2 =	vld [tilespmem:s29+$0x0];
	_ =	sdelay $0x2  }
0xf1: {  	v3 =	vld [tilespmem:s29+$0xFFFFFF00];
	_ =	sdelay $0x2  }
0xf2: {  	v0 =	vld.idx.msk [tilespmem:v0+s3+$0x0], $0xffff  }
0xf3: {  	v1 =	vld.idx.msk [tilespmem:v1+s3+$0x0], $0xffff  }
0xf4: {  	v2 =	vld.idx.msk [tilespmem:v2+s3+$0x0], $0xffff;
	_ =	sdelay $0x1  }
0xf5: {  	s25 =	simm.s32 $0xC180  }
0xf6: {  	v3 =	vld.idx.msk [tilespmem:v3+s3+$0x0], $0xffff;
	[tilespmem:s25+$0x80] =	vst v0  }
0xf7: {  	[tilespmem:s25+$0xFFFFFF80] =	vst v1;
	v0 =	vld [tilespmem:s29+$0x90]  }
0xf8: {  	[tilespmem:s25+$0x0] =	vst v2;
	v1 =	vld [tilespmem:s29+$0xFFFFFF90]  }
0xf9: {  	v2 =	vld [tilespmem:s29+$0x10];
	_ =	sdelay $0x1  }
0xfa: {  	[tilespmem:s25+$0xFFFFFF00] =	vst v3  }
0xfb: {  	v3 =	vld [tilespmem:s29+$0xFFFFFF10];
	_ =	sdelay $0x2  }
0xfc: {  	v0 =	vld.idx.msk [tilespmem:v0+s3+$0x0], $0xffff  }
0xfd: {  	v1 =	vld.idx.msk [tilespmem:v1+s3+$0x0], $0xffff  }
0xfe: {  	v2 =	vld.idx.msk [tilespmem:v2+s3+$0x0], $0xffff;
	_ =	sdelay $0x2  }
0xff: {  	v3 =	vld.idx.msk [tilespmem:v3+s3+$0x0], $0xffff;
	[tilespmem:s25+$0x90] =	vst v0  }
0x100: {  	[tilespmem:s25+$0xFFFFFF90] =	vst v1;
	v0 =	vld [tilespmem:s29+$0xA0]  }
0x101: {  	[tilespmem:s25+$0x10] =	vst v2;
	v1 =	vld [tilespmem:s29+$0xFFFFFFA0]  }
0x102: {  	v2 =	vld [tilespmem:s29+$0x20];
	_ =	sdelay $0x1  }
0x103: {  	[tilespmem:s25+$0xFFFFFF10] =	vst v3  }
0x104: {  	v3 =	vld [tilespmem:s29+$0xFFFFFF20]  }
0x105: {  	s26 =	simm.s32 $0x4380  }
0x106: {  	v4 =	vld [tilespmem:s26+$0x80]  }
0x107: {  	v0 =	vld.idx.msk [tilespmem:v0+s3+$0x0], $0xffff  }
0x108: {  	v1 =	vld.idx.msk [tilespmem:v1+s3+$0x0], $0xffff  }
0x109: {  	v2 =	vld.idx.msk [tilespmem:v2+s3+$0x0], $0xffff;
	_ =	sdelay $0x1  }
0x10a: {  	v5 =	vld [tilespmem:s26+$0xFFFFFF80]  }
0x10b: {  	v3 =	vld.idx.msk [tilespmem:v3+s3+$0x0], $0xffff;
	[tilespmem:s25+$0xA0] =	vst v0  }
0x10c: {  	[tilespmem:s25+$0xFFFFFFA0] =	vst v1;
	v0 =	vld [tilespmem:s29+$0xB0]  }
0x10d: {  	[tilespmem:s25+$0x20] =	vst v2;
	v1 =	vld [tilespmem:s29+$0xFFFFFFB0]  }
0x10e: {  	v2 =	vld [tilespmem:s29+$0x30];
	_ =	sdelay $0x1  }
0x10f: {  	v4 =	vld.idx.msk [tilespmem:v4+s3+$0x0], $0xffff;
	[tilespmem:s25+$0xFFFFFF20] =	vst v3  }
0x110: {  	v3 =	vld [tilespmem:s29+$0xFFFFFF30]  }
0x111: {  	v5 =	vld.idx.msk [tilespmem:v5+s3+$0x0], $0xffff  }
0x112: {  	v6 =	vld [tilespmem:s26+$0x0]  }
0x113: {  	v0 =	vld.idx.msk [tilespmem:v0+s3+$0x0], $0xffff  }
0x114: {  	s28 =	simm.s32 $0xC380;
	v1 =	vld.idx.msk [tilespmem:v1+s3+$0x0], $0xffff  }
0x115: {  	[tilespmem:s28+$0x80] =	vst v4;
	v2 =	vld.idx.msk [tilespmem:v2+s3+$0x0], $0xffff  }
0x116: {  	[tilespmem:s28+$0xFFFFFF80] =	vst v5;
	v4 =	vld [tilespmem:s26+$0x90]  }
0x117: {  	v5 =	vld [tilespmem:s26+$0xFFFFFF90]  }
0x118: {  	v3 =	vld.idx.msk [tilespmem:v3+s3+$0x0], $0xffff;
	[tilespmem:s25+$0xB0] =	vst v0  }
0x119: {  	[tilespmem:s25+$0xFFFFFFB0] =	vst v1;
	v0 =	vld [tilespmem:s29+$0xC0]  }
0x11a: {  	[tilespmem:s25+$0x30] =	vst v2;
	v1 =	vld [tilespmem:s29+$0xFFFFFFC0]  }
0x11b: {  	v2 =	vld [tilespmem:s29+$0x40]  }
0x11c: {  	v7 =	vld [tilespmem:s26+$0xFFFFFF00]  }
0x11d: {  	v6 =	vld.idx.msk [tilespmem:v6+s3+$0x0], $0xffff  }
0x11e: {  	v4 =	vld.idx.msk [tilespmem:v4+s3+$0x0], $0xffff;
	[tilespmem:s25+$0xFFFFFF30] =	vst v3  }
0x11f: {  	v3 =	vld [tilespmem:s29+$0xFFFFFF40]  }
0x120: {  	v5 =	vld.idx.msk [tilespmem:v5+s3+$0x0], $0xffff  }
0x121: {  	v0 =	vld.idx.msk [tilespmem:v0+s3+$0x0], $0xffff  }
0x122: {  	v1 =	vld.idx.msk [tilespmem:v1+s3+$0x0], $0xffff  }
0x123: {  	[tilespmem:s28+$0x0] =	vst v6;
	v2 =	vld.idx.msk [tilespmem:v2+s3+$0x0], $0xffff  }
0x124: {  	[tilespmem:s28+$0x90] =	vst v4  }
0x125: {  	v7 =	vld.idx.msk [tilespmem:v7+s3+$0x0], $0xffff;
	[tilespmem:s28+$0xFFFFFF90] =	vst v5  }
0x126: {  	v5 =	vld [tilespmem:s26+$0xA0];
	[tilespmem:s25+$0xC0] =	vst v0  }
0x127: {  	[tilespmem:s25+$0xFFFFFFC0] =	vst v1;
	v1 =	vld.idx.msk [tilespmem:v3+s3+$0x0], $0xffff  }
0x128: {  	[tilespmem:s25+$0x40] =	vst v2;
	v2 =	vld [tilespmem:s26+$0x10]  }
0x129: {  	v0 =	vld [tilespmem:s29+$0xD0]  }
0x12a: {  	v3 =	vld [tilespmem:s29+$0xFFFFFFD0]  }
0x12b: {  	[tilespmem:s28+$0xFFFFFF00] =	vst v7;
	v6 =	vld [tilespmem:s29+$0x50]  }
0x12c: {  	[tilespmem:s25+$0xFFFFFF40] =	vst v1;
	v1 =	vld [tilespmem:s26+$0xFFFFFF10]  }
0x12d: {  	v7 =	vld [tilespmem:s29+$0xFFFFFF50];
	_ =	sdelay $0x1  }
0x12e: {  	v5 =	vld.idx.msk [tilespmem:v5+s3+$0x0], $0xffff  }
0x12f: {  	v2 =	vld.idx.msk [tilespmem:v2+s3+$0x0], $0xffff  }
0x130: {  	v0 =	vld.idx.msk [tilespmem:v0+s3+$0x0], $0xffff  }
0x131: {  	v3 =	vld.idx.msk [tilespmem:v3+s3+$0x0], $0xffff  }
0x132: {  	v6 =	vld.idx.msk [tilespmem:v6+s3+$0x0], $0xffff  }
0x133: {  	v1 =	vld.idx.msk [tilespmem:v1+s3+$0x0], $0xffff  }
0x134: {  	v4 =	vld.idx.msk [tilespmem:v7+s3+$0x0], $0xffff  }
0x135: {  	[tilespmem:s28+$0x10] =	vst v2;
	v7 =	vld [tilespmem:s26+$0xFFFFFFA0]  }
0x136: {  	[tilespmem:s25+$0xD0] =	vst v0;
	v2 =	vld [tilespmem:s26+$0x20]  }
0x137: {  	[tilespmem:s25+$0xFFFFFFD0] =	vst v3;
	v0 =	vld [tilespmem:s29+$0xE0]  }
0x138: {  	v3 =	vld [tilespmem:s29+$0xFFFFFFE0];
	[tilespmem:s28+$0xFFFFFF10] =	vst v1  }
0x139: {  	v1 =	vld [tilespmem:s26+$0xFFFFFF20];
	[tilespmem:s25+$0xFFFFFF50] =	vst v4  }
0x13a: {  	[tilespmem:s28+$0xA0] =	vst v5;
	v4 =	vld [tilespmem:s29+$0xFFFFFF60]  }
0x13b: {  	v5 =	vld [tilespmem:s26+$0xB0];
	[tilespmem:s25+$0x50] =	vst v6  }
0x13c: {  	v6 =	vld [tilespmem:s29+$0x60]  }
0x13d: {  	v7 =	vld.idx.msk [tilespmem:v7+s3+$0x0], $0xffff  }
0x13e: {  	v2 =	vld.idx.msk [tilespmem:v2+s3+$0x0], $0xffff  }
0x13f: {  	v0 =	vld.idx.msk [tilespmem:v0+s3+$0x0], $0xffff  }
0x140: {  	v3 =	vld.idx.msk [tilespmem:v3+s3+$0x0], $0xffff  }
0x141: {  	v1 =	vld.idx.msk [tilespmem:v1+s3+$0x0], $0xffff  }
0x142: {  	[tilespmem:s28+$0xFFFFFFA0] =	vst v7;
	v4 =	vld.idx.msk [tilespmem:v4+s3+$0x0], $0xffff  }
0x143: {  	[tilespmem:s28+$0x20] =	vst v2;
	v7 =	vld [tilespmem:s26+$0xFFFFFFB0]  }
0x144: {  	[tilespmem:s25+$0xE0] =	vst v0;
	v2 =	vld [tilespmem:s26+$0x30]  }
0x145: {  	v0 =	vld [tilespmem:s29+$0xF0]  }
0x146: {  	v6 =	vld.idx.msk [tilespmem:v6+s3+$0x0], $0xffff;
	[tilespmem:s28+$0xFFFFFF20] =	vst v1  }
0x147: {  	[tilespmem:s25+$0xFFFFFFE0] =	vst v3;
	v1 =	vld [tilespmem:s26+$0xFFFFFF30]  }
0x148: {  	v3 =	vld.idx.msk [tilespmem:v5+s3+$0x0], $0xffff;
	[tilespmem:s25+$0xFFFFFF60] =	vst v4  }
0x149: {  	v4 =	vld [tilespmem:s29+$0xFFFFFF70]  }
0x14a: {  	v9 =	vld [tilespmem:s29+$0xFFFFFFF0]  }
0x14b: {  	v5 =	vld.idx.msk [tilespmem:v7+s3+$0x0], $0xffff  }
0x14c: {  	v2 =	vld.idx.msk [tilespmem:v2+s3+$0x0], $0xffff  }
0x14d: {  	[tilespmem:s25+$0x60] =	vst v6;
	v8 =	vld.idx.msk [tilespmem:v0+s3+$0x0], $0xffff  }
0x14e: {  	v0 =	vld [tilespmem:s29+$0x70]  }
0x14f: {  	[tilespmem:s28+$0xB0] =	vst v3;
	v6 =	vld.idx.msk [tilespmem:v1+s3+$0x0], $0xffff  }
0x150: {  	[tilespmem:s28+$0xFFFFFFB0] =	vst v5;
	v5 =	vld [tilespmem:s26+$0xC0]  }
0x151: {  	v1 =	vld.idx.msk [tilespmem:v4+s3+$0x0], $0xffff  }
0x152: {  	[tilespmem:s28+$0x30] =	vst v2;
	v2 =	vld.idx.msk [tilespmem:v9+s3+$0x0], $0xffff  }
0x153: {  	v3 =	vld [tilespmem:s26+$0xFFFFFFC0]  }
0x154: {  	s30 =	simm.s32 $0x4;
	s31 =	simm.s32 $0x4580;
	s29 =	simm.s32 $0xC380;
	v4 =	vld [tilespmem:s26+$0x40];
	[tilespmem:s25+$0xF0] =	vst v8  }
.LBB2_4:
0x155: {  	v7 =	vld [tilespmem:s31+$0x80];
	s30 =	sadd.s32 $0x4, s30;
	[tilespmem:s28+$0xFFFFFF30] =	vst v6  }
0x156: {  	v6 =	vld [tilespmem:s31+$0xFFFFFF80];
	p0 =	slt.u32 s30, $0x7C;
	[tilespmem:s25+$0xFFFFFF70] =	vst v1  }
0x157: {  	v1 =	vld [tilespmem:s31+$0x0]  }
0x158: {  	v8 =	vld [tilespmem:s31+$0xFFFFFF00]  }
0x159: {  	v5 =	vld.idx.msk [tilespmem:v5+s3+$0x0], $0xffff  }
0x15a: {  	v9 =	vld [tilespmem:s26+$0xFFFFFF40];
	[tilespmem:s25+$0xFFFFFFF0] =	vst v2  }
0x15b: {  	v2 =	vld.idx.msk [tilespmem:v3+s3+$0x0], $0xffff  }
0x15c: {  	v3 =	vld.idx.msk [tilespmem:v4+s3+$0x0], $0xffff  }
0x15d: {  	v4 =	vld.idx.msk [tilespmem:v7+s3+$0x0], $0xffff  }
0x15e: {  	v6 =	vld.idx.msk [tilespmem:v6+s3+$0x0], $0xffff  }
0x15f: {  	v1 =	vld.idx.msk [tilespmem:v1+s3+$0x0], $0xffff;
	[tilespmem:s28+$0xC0] =	vst v5  }
0x160: {  	v5 =	vld [tilespmem:s26+$0xD0]  }
0x161: {  	v7 =	vld.idx.msk [tilespmem:v8+s3+$0x0], $0xffff;
	[tilespmem:s28+$0xFFFFFFC0] =	vst v2  }
0x162: {  	s28 =	sadd.s32 $0x200, s28;
	v2 =	vld.idx.msk [tilespmem:v9+s3+$0x0], $0xffff;
	[tilespmem:s29+$0x40] =	vst v3  }
0x163: {  	[tilespmem:s28+$0x80] =	vst v4;
	v3 =	vld [tilespmem:s26+$0xFFFFFFD0]  }
0x164: {  	[tilespmem:s28+$0xFFFFFF80] =	vst v6;
	v4 =	vld [tilespmem:s31+$0x90]  }
0x165: {  	v6 =	vld [tilespmem:s31+$0xFFFFFF90];
	[tilespmem:s28+$0x0] =	vst v1  }
0x166: {  	v1 =	vld [tilespmem:s31+$0x10]  }
0x167: {  	[tilespmem:s28+$0xFFFFFF00] =	vst v7;
	v7 =	vld [tilespmem:s26+$0x50]  }
0x168: {  	[tilespmem:s29+$0xFFFFFF40] =	vst v2;
	v2 =	vld.idx.msk [tilespmem:v5+s3+$0x0], $0xffff  }
0x169: {  	v5 =	vld [tilespmem:s31+$0xFFFFFF10]  }
0x16a: {  	v8 =	vld [tilespmem:s26+$0xFFFFFF50]  }
0x16b: {  	v3 =	vld.idx.msk [tilespmem:v3+s3+$0x0], $0xffff  }
0x16c: {  	v4 =	vld.idx.msk [tilespmem:v4+s3+$0x0], $0xffff  }
0x16d: {  	v6 =	vld.idx.msk [tilespmem:v6+s3+$0x0], $0xffff  }
0x16e: {  	v1 =	vld.idx.msk [tilespmem:v1+s3+$0x0], $0xffff;
	[tilespmem:s29+$0xD0] =	vst v2  }
0x16f: {  	v2 =	vld [tilespmem:s26+$0xE0]  }
0x170: {  	v7 =	vld.idx.msk [tilespmem:v7+s3+$0x0], $0xffff  }
0x171: {  	v5 =	vld.idx.msk [tilespmem:v5+s3+$0x0], $0xffff;
	[tilespmem:s29+$0xFFFFFFD0] =	vst v3  }
0x172: {  	[tilespmem:s28+$0x90] =	vst v4;
	v3 =	vld.idx.msk [tilespmem:v8+s3+$0x0], $0xffff  }
0x173: {  	[tilespmem:s28+$0xFFFFFF90] =	vst v6;
	v4 =	vld [tilespmem:s31+$0xA0]  }
0x174: {  	v6 =	vld [tilespmem:s31+$0xFFFFFFA0];
	[tilespmem:s28+$0x10] =	vst v1  }
0x175: {  	v1 =	vld [tilespmem:s31+$0x20]  }
0x176: {  	v8 =	vld [tilespmem:s26+$0xFFFFFFE0];
	[tilespmem:s29+$0x50] =	vst v7  }
0x177: {  	[tilespmem:s28+$0xFFFFFF10] =	vst v5;
	v2 =	vld.idx.msk [tilespmem:v2+s3+$0x0], $0xffff  }
0x178: {  	v5 =	vld [tilespmem:s31+$0xFFFFFF20];
	[tilespmem:s29+$0xFFFFFF50] =	vst v3  }
0x179: {  	v3 =	vld [tilespmem:s26+$0xFFFFFF60]  }
0x17a: {  	v7 =	vld [tilespmem:s26+$0x60]  }
0x17b: {  	v4 =	vld.idx.msk [tilespmem:v4+s3+$0x0], $0xffff  }
0x17c: {  	v6 =	vld.idx.msk [tilespmem:v6+s3+$0x0], $0xffff  }
0x17d: {  	v1 =	vld.idx.msk [tilespmem:v1+s3+$0x0], $0xffff;
	[tilespmem:s29+$0xE0] =	vst v2  }
0x17e: {  	v2 =	vld [tilespmem:s26+$0xF0]  }
0x17f: {  	v8 =	vld.idx.msk [tilespmem:v8+s3+$0x0], $0xffff  }
0x180: {  	v5 =	vld.idx.msk [tilespmem:v5+s3+$0x0], $0xffff  }
0x181: {  	[tilespmem:s28+$0xA0] =	vst v4;
	v3 =	vld.idx.msk [tilespmem:v3+s3+$0x0], $0xffff  }
0x182: {  	[tilespmem:s28+$0xFFFFFFA0] =	vst v6;
	v4 =	vld [tilespmem:s31+$0xB0]  }
0x183: {  	v6 =	vld [tilespmem:s31+$0xFFFFFFB0];
	[tilespmem:s28+$0x20] =	vst v1  }
0x184: {  	v1 =	vld [tilespmem:s31+$0x30]  }
0x185: {  	[tilespmem:s29+$0xFFFFFFE0] =	vst v8;
	v7 =	vld.idx.msk [tilespmem:v7+s3+$0x0], $0xffff  }
0x186: {  	[tilespmem:s28+$0xFFFFFF20] =	vst v5;
	v2 =	vld.idx.msk [tilespmem:v2+s3+$0x0], $0xffff  }
0x187: {  	v5 =	vld [tilespmem:s31+$0xFFFFFF30];
	[tilespmem:s29+$0xFFFFFF60] =	vst v3  }
0x188: {  	v3 =	vld [tilespmem:s26+$0xFFFFFF70]  }
0x189: {  	v8 =	vld [tilespmem:s26+$0xFFFFFFF0]  }
0x18a: {  	v4 =	vld.idx.msk [tilespmem:v4+s3+$0x0], $0xffff  }
0x18b: {  	v9 =	vld.idx.msk [tilespmem:v6+s3+$0x0], $0xffff;
	[tilespmem:s29+$0x60] =	vst v7  }
0x18c: {  	v7 =	vld.idx.msk [tilespmem:v1+s3+$0x0], $0xffff;
	[tilespmem:s29+$0xF0] =	vst v2  }
0x18d: {  	v2 =	vld [tilespmem:s26+$0x70];
	s26 =	smov.u32 s31  }
0x18e: {  	v10 =	vld.idx.msk [tilespmem:v0+s3+$0x0], $0xffff  }
0x18f: {  	v6 =	vld.idx.msk [tilespmem:v5+s3+$0x0], $0xffff  }
.Ltmp1:
0x190: {  	[tilespmem:s28+$0xB0] =	vst v4;
	v1 =	vld.idx.msk [tilespmem:v3+s3+$0x0], $0xffff;
	(pc) =	sbr.rel @p0 .LBB2_4-.Ltmp1, $4  }
0x191: {  	[tilespmem:s28+$0xFFFFFFB0] =	vst v9;
	v5 =	vld [tilespmem:s31+$0xC0]  }
0x192: {  	v3 =	vld [tilespmem:s31+$0xFFFFFFC0];
	[tilespmem:s28+$0x30] =	vst v7;
	v0 =	vmov v2  }
0x193: {  	v4 =	vld [tilespmem:s31+$0x40]  }
0x194: {  	s31 =	sadd.s32 $0x200, s31;
	v2 =	vld.idx.msk [tilespmem:v8+s3+$0x0], $0xffff;
	[tilespmem:s25+$0x70] =	vst v10;
	s25 =	smov.u32 s29;
	s29 =	smov.u32 s28  }
0x195: {  	[tilespmem:s28+$0xFFFFFF30] =	vst v6  }
0x196: {  	v6 =	vld [tilespmem:s26+$0xFFFFFF40];
	_ =	sdelay $0x4  }
0x197: {  	v5 =	vld.idx.msk [tilespmem:v5+s3+$0x0], $0xffff  }
0x198: {  	v3 =	vld.idx.msk [tilespmem:v3+s3+$0x0], $0xffff  }
0x199: {  	v4 =	vld.idx.msk [tilespmem:v4+s3+$0x0], $0xffff  }
0x19a: {  	v6 =	vld.idx.msk [tilespmem:v6+s3+$0x0], $0xffff;
	_ =	sdelay $0x1  }
0x19b: {  	[tilespmem:s28+$0xC0] =	vst v5  }
0x19c: {  	v5 =	vld [tilespmem:s26+$0xD0];
	[tilespmem:s28+$0xFFFFFFC0] =	vst v3  }
0x19d: {  	[tilespmem:s29+$0x40] =	vst v4;
	v4 =	vld [tilespmem:s26+$0xFFFFFFD0]  }
0x19e: {  	[tilespmem:s29+$0xFFFFFF40] =	vst v6;
	v6 =	vld [tilespmem:s26+$0x50]  }
0x19f: {  	v3 =	vld [tilespmem:s26+$0xFFFFFF50];
	_ =	sdelay $0x4  }
0x1a0: {  	v5 =	vld.idx.msk [tilespmem:v5+s3+$0x0], $0xffff  }
0x1a1: {  	v4 =	vld.idx.msk [tilespmem:v4+s3+$0x0], $0xffff  }
0x1a2: {  	v6 =	vld.idx.msk [tilespmem:v6+s3+$0x0], $0xffff  }
0x1a3: {  	v3 =	vld.idx.msk [tilespmem:v3+s3+$0x0], $0xffff;
	_ =	sdelay $0x1  }
0x1a4: {  	[tilespmem:s29+$0xD0] =	vst v5  }
0x1a5: {  	v5 =	vld [tilespmem:s26+$0xE0];
	[tilespmem:s29+$0xFFFFFFD0] =	vst v4  }
0x1a6: {  	v4 =	vld [tilespmem:s26+$0xFFFFFFE0];
	[tilespmem:s29+$0x50] =	vst v6  }
0x1a7: {  	[tilespmem:s29+$0xFFFFFF50] =	vst v3;
	v6 =	vld [tilespmem:s26+$0x60]  }
0x1a8: {  	v3 =	vld [tilespmem:s26+$0xFFFFFF60];
	_ =	sdelay $0x4  }
0x1a9: {  	v5 =	vld.idx.msk [tilespmem:v5+s3+$0x0], $0xffff  }
0x1aa: {  	v4 =	vld.idx.msk [tilespmem:v4+s3+$0x0], $0xffff  }
0x1ab: {  	v6 =	vld.idx.msk [tilespmem:v6+s3+$0x0], $0xffff  }
0x1ac: {  	v3 =	vld.idx.msk [tilespmem:v3+s3+$0x0], $0xffff;
	_ =	sdelay $0x1  }
0x1ad: {  	[tilespmem:s29+$0xE0] =	vst v5  }
0x1ae: {  	v5 =	vld [tilespmem:s26+$0xF0];
	[tilespmem:s29+$0xFFFFFFE0] =	vst v4  }
0x1af: {  	v4 =	vld [tilespmem:s26+$0xFFFFFFF0];
	[tilespmem:s29+$0x60] =	vst v6  }
0x1b0: {  	[tilespmem:s29+$0xFFFFFF60] =	vst v3;
	v6 =	vld [tilespmem:s26+$0x70]  }
0x1b1: {  	v3 =	vld [tilespmem:s26+$0xFFFFFF70];
	_ =	sdelay $0x3  }
0x1b2: {  	v0 =	vld.idx.msk [tilespmem:v0+s3+$0x0], $0xffff  }
0x1b3: {  	v5 =	vld.idx.msk [tilespmem:v5+s3+$0x0], $0xffff  }
0x1b4: {  	[tilespmem:s25+$0xFFFFFF70] =	vst v1;
	v1 =	vld.idx.msk [tilespmem:v4+s3+$0x0], $0xffff  }
0x1b5: {  	[tilespmem:s25+$0xFFFFFFF0] =	vst v2;
	v2 =	vld.idx.msk [tilespmem:v6+s3+$0x0], $0xffff  }
0x1b6: {  	v3 =	vld.idx.msk [tilespmem:v3+s3+$0x0], $0xffff  }
0x1b7: {  	[tilespmem:s25+$0x70] =	vst v0  }
0x1b8: {  	[tilespmem:s29+$0xF0] =	vst v5  }
0x1b9: {  	[tilespmem:s29+$0xFFFFFFF0] =	vst v1  }
0x1ba: {  	[tilespmem:s29+$0x70] =	vst v2  }
0x1bb: {  	[tilespmem:s29+$0xFFFFFF70] =	vst v3  }
0x1bc: {  	[hbm4b:s8+s14] =	stream.strided.scatter [tilespmem:s21], [sflag:$0x4], $0x4000, s15, s14, $0x38;
	[tilespmem:$0x10080] =	vst v63  }
0x1bd: {  	_ = 	snop  }
0x1be: {  	[tilespmem:s17], [sflag:$0x2] =	stream.strided.gather [hbm4b:s9+s14], $0x4000, s15, s14, $0x38;
	[tilespmem:$0x10080] =	vst v63  }
0x1bf: {  	_ =	swait.ge [sflag:s18], $0x4000  }
0x1c0: {  	[sflag:s18] =	ssyncset.done $0x0  }
0x1c1: {  	[sflag:s18] =	ssyncadd.s32 $0xFFFFC000  }
0x1c2: {  	_ =	swait.ge [sflag:s22], $0x4000  }
0x1c3: {  	[sflag:s22] =	ssyncset.done $0x0  }
0x1c4: {  	s29 =	simm.s32 $0x180;
	[sflag:s22] =	ssyncadd.s32 $0xFFFFC000  }
0x1c5: {  	v0 =	vld [tilespmem:s29+$0x80]  }
0x1c6: {  	v1 =	vld [tilespmem:s29+$0xFFFFFF80]  }
0x1c7: {  	v2 =	vld [tilespmem:s29+$0x0];
	_ =	sdelay $0x2  }
0x1c8: {  	v3 =	vld [tilespmem:s29+$0xFFFFFF00];
	_ =	sdelay $0x2  }
0x1c9: {  	v0 =	vld.idx.msk [tilespmem:v0+s3+$0x0], $0xffff  }
0x1ca: {  	v1 =	vld.idx.msk [tilespmem:v1+s3+$0x0], $0xffff  }
0x1cb: {  	v2 =	vld.idx.msk [tilespmem:v2+s3+$0x0], $0xffff;
	_ =	sdelay $0x1  }
0x1cc: {  	s25 =	simm.s32 $0x8180  }
0x1cd: {  	v3 =	vld.idx.msk [tilespmem:v3+s3+$0x0], $0xffff;
	[tilespmem:s25+$0x80] =	vst v0  }
0x1ce: {  	[tilespmem:s25+$0xFFFFFF80] =	vst v1;
	v0 =	vld [tilespmem:s29+$0x90]  }
0x1cf: {  	[tilespmem:s25+$0x0] =	vst v2;
	v1 =	vld [tilespmem:s29+$0xFFFFFF90]  }
0x1d0: {  	v2 =	vld [tilespmem:s29+$0x10];
	_ =	sdelay $0x1  }
0x1d1: {  	[tilespmem:s25+$0xFFFFFF00] =	vst v3  }
0x1d2: {  	v3 =	vld [tilespmem:s29+$0xFFFFFF10];
	_ =	sdelay $0x2  }
0x1d3: {  	v0 =	vld.idx.msk [tilespmem:v0+s3+$0x0], $0xffff  }
0x1d4: {  	v1 =	vld.idx.msk [tilespmem:v1+s3+$0x0], $0xffff  }
0x1d5: {  	v2 =	vld.idx.msk [tilespmem:v2+s3+$0x0], $0xffff;
	_ =	sdelay $0x2  }
0x1d6: {  	v3 =	vld.idx.msk [tilespmem:v3+s3+$0x0], $0xffff;
	[tilespmem:s25+$0x90] =	vst v0  }
0x1d7: {  	[tilespmem:s25+$0xFFFFFF90] =	vst v1;
	v0 =	vld [tilespmem:s29+$0xA0]  }
0x1d8: {  	[tilespmem:s25+$0x10] =	vst v2;
	v1 =	vld [tilespmem:s29+$0xFFFFFFA0]  }
0x1d9: {  	v2 =	vld [tilespmem:s29+$0x20];
	_ =	sdelay $0x1  }
0x1da: {  	[tilespmem:s25+$0xFFFFFF10] =	vst v3  }
0x1db: {  	v3 =	vld [tilespmem:s29+$0xFFFFFF20]  }
0x1dc: {  	s26 =	simm.s32 $0x380  }
0x1dd: {  	v4 =	vld [tilespmem:s26+$0x80]  }
0x1de: {  	v0 =	vld.idx.msk [tilespmem:v0+s3+$0x0], $0xffff  }
0x1df: {  	v1 =	vld.idx.msk [tilespmem:v1+s3+$0x0], $0xffff  }
0x1e0: {  	v2 =	vld.idx.msk [tilespmem:v2+s3+$0x0], $0xffff;
	_ =	sdelay $0x1  }
0x1e1: {  	v5 =	vld [tilespmem:s26+$0xFFFFFF80]  }
0x1e2: {  	v3 =	vld.idx.msk [tilespmem:v3+s3+$0x0], $0xffff;
	[tilespmem:s25+$0xA0] =	vst v0  }
0x1e3: {  	[tilespmem:s25+$0xFFFFFFA0] =	vst v1;
	v0 =	vld [tilespmem:s29+$0xB0]  }
0x1e4: {  	[tilespmem:s25+$0x20] =	vst v2;
	v1 =	vld [tilespmem:s29+$0xFFFFFFB0]  }
0x1e5: {  	v2 =	vld [tilespmem:s29+$0x30];
	_ =	sdelay $0x1  }
0x1e6: {  	v4 =	vld.idx.msk [tilespmem:v4+s3+$0x0], $0xffff;
	[tilespmem:s25+$0xFFFFFF20] =	vst v3  }
0x1e7: {  	v3 =	vld [tilespmem:s29+$0xFFFFFF30]  }
0x1e8: {  	v5 =	vld.idx.msk [tilespmem:v5+s3+$0x0], $0xffff  }
0x1e9: {  	v6 =	vld [tilespmem:s26+$0x0]  }
0x1ea: {  	v0 =	vld.idx.msk [tilespmem:v0+s3+$0x0], $0xffff  }
0x1eb: {  	s28 =	simm.s32 $0x8380;
	v1 =	vld.idx.msk [tilespmem:v1+s3+$0x0], $0xffff  }
0x1ec: {  	[tilespmem:s28+$0x80] =	vst v4;
	v2 =	vld.idx.msk [tilespmem:v2+s3+$0x0], $0xffff  }
0x1ed: {  	[tilespmem:s28+$0xFFFFFF80] =	vst v5;
	v4 =	vld [tilespmem:s26+$0x90]  }
0x1ee: {  	v5 =	vld [tilespmem:s26+$0xFFFFFF90]  }
0x1ef: {  	v3 =	vld.idx.msk [tilespmem:v3+s3+$0x0], $0xffff;
	[tilespmem:s25+$0xB0] =	vst v0  }
0x1f0: {  	[tilespmem:s25+$0xFFFFFFB0] =	vst v1;
	v0 =	vld [tilespmem:s29+$0xC0]  }
0x1f1: {  	[tilespmem:s25+$0x30] =	vst v2;
	v1 =	vld [tilespmem:s29+$0xFFFFFFC0]  }
0x1f2: {  	v2 =	vld [tilespmem:s29+$0x40]  }
0x1f3: {  	v7 =	vld [tilespmem:s26+$0xFFFFFF00]  }
0x1f4: {  	v6 =	vld.idx.msk [tilespmem:v6+s3+$0x0], $0xffff  }
0x1f5: {  	v4 =	vld.idx.msk [tilespmem:v4+s3+$0x0], $0xffff;
	[tilespmem:s25+$0xFFFFFF30] =	vst v3  }
0x1f6: {  	v3 =	vld [tilespmem:s29+$0xFFFFFF40]  }
0x1f7: {  	v5 =	vld.idx.msk [tilespmem:v5+s3+$0x0], $0xffff  }
0x1f8: {  	v0 =	vld.idx.msk [tilespmem:v0+s3+$0x0], $0xffff  }
0x1f9: {  	v1 =	vld.idx.msk [tilespmem:v1+s3+$0x0], $0xffff  }
0x1fa: {  	[tilespmem:s28+$0x0] =	vst v6;
	v2 =	vld.idx.msk [tilespmem:v2+s3+$0x0], $0xffff  }
0x1fb: {  	[tilespmem:s28+$0x90] =	vst v4  }
0x1fc: {  	v7 =	vld.idx.msk [tilespmem:v7+s3+$0x0], $0xffff;
	[tilespmem:s28+$0xFFFFFF90] =	vst v5  }
0x1fd: {  	v5 =	vld [tilespmem:s26+$0xA0];
	[tilespmem:s25+$0xC0] =	vst v0  }
0x1fe: {  	[tilespmem:s25+$0xFFFFFFC0] =	vst v1;
	v1 =	vld.idx.msk [tilespmem:v3+s3+$0x0], $0xffff  }
0x1ff: {  	[tilespmem:s25+$0x40] =	vst v2;
	v2 =	vld [tilespmem:s26+$0x10]  }
0x200: {  	v0 =	vld [tilespmem:s29+$0xD0]  }
0x201: {  	v3 =	vld [tilespmem:s29+$0xFFFFFFD0]  }
0x202: {  	[tilespmem:s28+$0xFFFFFF00] =	vst v7;
	v6 =	vld [tilespmem:s29+$0x50]  }
0x203: {  	[tilespmem:s25+$0xFFFFFF40] =	vst v1;
	v1 =	vld [tilespmem:s26+$0xFFFFFF10]  }
0x204: {  	v7 =	vld [tilespmem:s29+$0xFFFFFF50];
	_ =	sdelay $0x1  }
0x205: {  	v5 =	vld.idx.msk [tilespmem:v5+s3+$0x0], $0xffff  }
0x206: {  	v2 =	vld.idx.msk [tilespmem:v2+s3+$0x0], $0xffff  }
0x207: {  	v0 =	vld.idx.msk [tilespmem:v0+s3+$0x0], $0xffff  }
0x208: {  	v3 =	vld.idx.msk [tilespmem:v3+s3+$0x0], $0xffff  }
0x209: {  	v6 =	vld.idx.msk [tilespmem:v6+s3+$0x0], $0xffff  }
0x20a: {  	v1 =	vld.idx.msk [tilespmem:v1+s3+$0x0], $0xffff  }
0x20b: {  	v4 =	vld.idx.msk [tilespmem:v7+s3+$0x0], $0xffff  }
0x20c: {  	[tilespmem:s28+$0x10] =	vst v2;
	v7 =	vld [tilespmem:s26+$0xFFFFFFA0]  }
0x20d: {  	[tilespmem:s25+$0xD0] =	vst v0;
	v2 =	vld [tilespmem:s26+$0x20]  }
0x20e: {  	[tilespmem:s25+$0xFFFFFFD0] =	vst v3;
	v0 =	vld [tilespmem:s29+$0xE0]  }
0x20f: {  	v3 =	vld [tilespmem:s29+$0xFFFFFFE0];
	[tilespmem:s28+$0xFFFFFF10] =	vst v1  }
0x210: {  	v1 =	vld [tilespmem:s26+$0xFFFFFF20];
	[tilespmem:s25+$0xFFFFFF50] =	vst v4  }
0x211: {  	[tilespmem:s28+$0xA0] =	vst v5;
	v4 =	vld [tilespmem:s29+$0xFFFFFF60]  }
0x212: {  	v5 =	vld [tilespmem:s26+$0xB0];
	[tilespmem:s25+$0x50] =	vst v6  }
0x213: {  	v6 =	vld [tilespmem:s29+$0x60]  }
0x214: {  	v7 =	vld.idx.msk [tilespmem:v7+s3+$0x0], $0xffff  }
0x215: {  	v2 =	vld.idx.msk [tilespmem:v2+s3+$0x0], $0xffff  }
0x216: {  	v0 =	vld.idx.msk [tilespmem:v0+s3+$0x0], $0xffff  }
0x217: {  	v3 =	vld.idx.msk [tilespmem:v3+s3+$0x0], $0xffff  }
0x218: {  	v1 =	vld.idx.msk [tilespmem:v1+s3+$0x0], $0xffff  }
0x219: {  	[tilespmem:s28+$0xFFFFFFA0] =	vst v7;
	v4 =	vld.idx.msk [tilespmem:v4+s3+$0x0], $0xffff  }
0x21a: {  	[tilespmem:s28+$0x20] =	vst v2;
	v7 =	vld [tilespmem:s26+$0xFFFFFFB0]  }
0x21b: {  	[tilespmem:s25+$0xE0] =	vst v0;
	v2 =	vld [tilespmem:s26+$0x30]  }
0x21c: {  	v0 =	vld [tilespmem:s29+$0xF0]  }
0x21d: {  	v6 =	vld.idx.msk [tilespmem:v6+s3+$0x0], $0xffff;
	[tilespmem:s28+$0xFFFFFF20] =	vst v1  }
0x21e: {  	[tilespmem:s25+$0xFFFFFFE0] =	vst v3;
	v1 =	vld [tilespmem:s26+$0xFFFFFF30]  }
0x21f: {  	v3 =	vld.idx.msk [tilespmem:v5+s3+$0x0], $0xffff;
	[tilespmem:s25+$0xFFFFFF60] =	vst v4  }
0x220: {  	v4 =	vld [tilespmem:s29+$0xFFFFFF70]  }
0x221: {  	v9 =	vld [tilespmem:s29+$0xFFFFFFF0]  }
0x222: {  	v5 =	vld.idx.msk [tilespmem:v7+s3+$0x0], $0xffff  }
0x223: {  	v2 =	vld.idx.msk [tilespmem:v2+s3+$0x0], $0xffff  }
0x224: {  	[tilespmem:s25+$0x60] =	vst v6;
	v8 =	vld.idx.msk [tilespmem:v0+s3+$0x0], $0xffff  }
0x225: {  	v0 =	vld [tilespmem:s29+$0x70]  }
0x226: {  	[tilespmem:s28+$0xB0] =	vst v3;
	v6 =	vld.idx.msk [tilespmem:v1+s3+$0x0], $0xffff  }
0x227: {  	[tilespmem:s28+$0xFFFFFFB0] =	vst v5;
	v5 =	vld [tilespmem:s26+$0xC0]  }
0x228: {  	v1 =	vld.idx.msk [tilespmem:v4+s3+$0x0], $0xffff  }
0x229: {  	[tilespmem:s28+$0x30] =	vst v2;
	v2 =	vld.idx.msk [tilespmem:v9+s3+$0x0], $0xffff  }
0x22a: {  	v3 =	vld [tilespmem:s26+$0xFFFFFFC0]  }
0x22b: {  	s30 =	simm.s32 $0x4;
	s31 =	simm.s32 $0x580;
	s29 =	simm.s32 $0x8380;
	v4 =	vld [tilespmem:s26+$0x40];
	[tilespmem:s25+$0xF0] =	vst v8  }
.LBB2_6:
0x22c: {  	v7 =	vld [tilespmem:s31+$0x80];
	s30 =	sadd.s32 $0x4, s30;
	[tilespmem:s28+$0xFFFFFF30] =	vst v6  }
0x22d: {  	v6 =	vld [tilespmem:s31+$0xFFFFFF80];
	p0 =	slt.u32 s30, $0x7C;
	[tilespmem:s25+$0xFFFFFF70] =	vst v1  }
0x22e: {  	v1 =	vld [tilespmem:s31+$0x0]  }
0x22f: {  	v8 =	vld [tilespmem:s31+$0xFFFFFF00]  }
0x230: {  	v5 =	vld.idx.msk [tilespmem:v5+s3+$0x0], $0xffff  }
0x231: {  	v9 =	vld [tilespmem:s26+$0xFFFFFF40];
	[tilespmem:s25+$0xFFFFFFF0] =	vst v2  }
0x232: {  	v2 =	vld.idx.msk [tilespmem:v3+s3+$0x0], $0xffff  }
0x233: {  	v3 =	vld.idx.msk [tilespmem:v4+s3+$0x0], $0xffff  }
0x234: {  	v4 =	vld.idx.msk [tilespmem:v7+s3+$0x0], $0xffff  }
0x235: {  	v6 =	vld.idx.msk [tilespmem:v6+s3+$0x0], $0xffff  }
0x236: {  	v1 =	vld.idx.msk [tilespmem:v1+s3+$0x0], $0xffff;
	[tilespmem:s28+$0xC0] =	vst v5  }
0x237: {  	v5 =	vld [tilespmem:s26+$0xD0]  }
0x238: {  	v7 =	vld.idx.msk [tilespmem:v8+s3+$0x0], $0xffff;
	[tilespmem:s28+$0xFFFFFFC0] =	vst v2  }
0x239: {  	s28 =	sadd.s32 $0x200, s28;
	v2 =	vld.idx.msk [tilespmem:v9+s3+$0x0], $0xffff;
	[tilespmem:s29+$0x40] =	vst v3  }
0x23a: {  	[tilespmem:s28+$0x80] =	vst v4;
	v3 =	vld [tilespmem:s26+$0xFFFFFFD0]  }
0x23b: {  	[tilespmem:s28+$0xFFFFFF80] =	vst v6;
	v4 =	vld [tilespmem:s31+$0x90]  }
0x23c: {  	v6 =	vld [tilespmem:s31+$0xFFFFFF90];
	[tilespmem:s28+$0x0] =	vst v1  }
0x23d: {  	v1 =	vld [tilespmem:s31+$0x10]  }
0x23e: {  	[tilespmem:s28+$0xFFFFFF00] =	vst v7;
	v7 =	vld [tilespmem:s26+$0x50]  }
0x23f: {  	[tilespmem:s29+$0xFFFFFF40] =	vst v2;
	v2 =	vld.idx.msk [tilespmem:v5+s3+$0x0], $0xffff  }
0x240: {  	v5 =	vld [tilespmem:s31+$0xFFFFFF10]  }
0x241: {  	v8 =	vld [tilespmem:s26+$0xFFFFFF50]  }
0x242: {  	v3 =	vld.idx.msk [tilespmem:v3+s3+$0x0], $0xffff  }
0x243: {  	v4 =	vld.idx.msk [tilespmem:v4+s3+$0x0], $0xffff  }
0x244: {  	v6 =	vld.idx.msk [tilespmem:v6+s3+$0x0], $0xffff  }
0x245: {  	v1 =	vld.idx.msk [tilespmem:v1+s3+$0x0], $0xffff;
	[tilespmem:s29+$0xD0] =	vst v2  }
0x246: {  	v2 =	vld [tilespmem:s26+$0xE0]  }
0x247: {  	v7 =	vld.idx.msk [tilespmem:v7+s3+$0x0], $0xffff  }
0x248: {  	v5 =	vld.idx.msk [tilespmem:v5+s3+$0x0], $0xffff;
	[tilespmem:s29+$0xFFFFFFD0] =	vst v3  }
0x249: {  	[tilespmem:s28+$0x90] =	vst v4;
	v3 =	vld.idx.msk [tilespmem:v8+s3+$0x0], $0xffff  }
0x24a: {  	[tilespmem:s28+$0xFFFFFF90] =	vst v6;
	v4 =	vld [tilespmem:s31+$0xA0]  }
0x24b: {  	v6 =	vld [tilespmem:s31+$0xFFFFFFA0];
	[tilespmem:s28+$0x10] =	vst v1  }
0x24c: {  	v1 =	vld [tilespmem:s31+$0x20]  }
0x24d: {  	v8 =	vld [tilespmem:s26+$0xFFFFFFE0];
	[tilespmem:s29+$0x50] =	vst v7  }
0x24e: {  	[tilespmem:s28+$0xFFFFFF10] =	vst v5;
	v2 =	vld.idx.msk [tilespmem:v2+s3+$0x0], $0xffff  }
0x24f: {  	v5 =	vld [tilespmem:s31+$0xFFFFFF20];
	[tilespmem:s29+$0xFFFFFF50] =	vst v3  }
0x250: {  	v3 =	vld [tilespmem:s26+$0xFFFFFF60]  }
0x251: {  	v7 =	vld [tilespmem:s26+$0x60]  }
0x252: {  	v4 =	vld.idx.msk [tilespmem:v4+s3+$0x0], $0xffff  }
0x253: {  	v6 =	vld.idx.msk [tilespmem:v6+s3+$0x0], $0xffff  }
0x254: {  	v1 =	vld.idx.msk [tilespmem:v1+s3+$0x0], $0xffff;
	[tilespmem:s29+$0xE0] =	vst v2  }
0x255: {  	v2 =	vld [tilespmem:s26+$0xF0]  }
0x256: {  	v8 =	vld.idx.msk [tilespmem:v8+s3+$0x0], $0xffff  }
0x257: {  	v5 =	vld.idx.msk [tilespmem:v5+s3+$0x0], $0xffff  }
0x258: {  	[tilespmem:s28+$0xA0] =	vst v4;
	v3 =	vld.idx.msk [tilespmem:v3+s3+$0x0], $0xffff  }
0x259: {  	[tilespmem:s28+$0xFFFFFFA0] =	vst v6;
	v4 =	vld [tilespmem:s31+$0xB0]  }
0x25a: {  	v6 =	vld [tilespmem:s31+$0xFFFFFFB0];
	[tilespmem:s28+$0x20] =	vst v1  }
0x25b: {  	v1 =	vld [tilespmem:s31+$0x30]  }
0x25c: {  	[tilespmem:s29+$0xFFFFFFE0] =	vst v8;
	v7 =	vld.idx.msk [tilespmem:v7+s3+$0x0], $0xffff  }
0x25d: {  	[tilespmem:s28+$0xFFFFFF20] =	vst v5;
	v2 =	vld.idx.msk [tilespmem:v2+s3+$0x0], $0xffff  }
0x25e: {  	v5 =	vld [tilespmem:s31+$0xFFFFFF30];
	[tilespmem:s29+$0xFFFFFF60] =	vst v3  }
0x25f: {  	v3 =	vld [tilespmem:s26+$0xFFFFFF70]  }
0x260: {  	v8 =	vld [tilespmem:s26+$0xFFFFFFF0]  }
0x261: {  	v4 =	vld.idx.msk [tilespmem:v4+s3+$0x0], $0xffff  }
0x262: {  	v9 =	vld.idx.msk [tilespmem:v6+s3+$0x0], $0xffff;
	[tilespmem:s29+$0x60] =	vst v7  }
0x263: {  	v7 =	vld.idx.msk [tilespmem:v1+s3+$0x0], $0xffff;
	[tilespmem:s29+$0xF0] =	vst v2  }
0x264: {  	v2 =	vld [tilespmem:s26+$0x70];
	s26 =	smov.u32 s31  }
0x265: {  	v10 =	vld.idx.msk [tilespmem:v0+s3+$0x0], $0xffff  }
0x266: {  	v6 =	vld.idx.msk [tilespmem:v5+s3+$0x0], $0xffff  }
.Ltmp2:
0x267: {  	[tilespmem:s28+$0xB0] =	vst v4;
	v1 =	vld.idx.msk [tilespmem:v3+s3+$0x0], $0xffff;
	(pc) =	sbr.rel @p0 .LBB2_6-.Ltmp2, $4  }
0x268: {  	[tilespmem:s28+$0xFFFFFFB0] =	vst v9;
	v5 =	vld [tilespmem:s31+$0xC0]  }
0x269: {  	v3 =	vld [tilespmem:s31+$0xFFFFFFC0];
	[tilespmem:s28+$0x30] =	vst v7;
	v0 =	vmov v2  }
0x26a: {  	v4 =	vld [tilespmem:s31+$0x40]  }
0x26b: {  	s31 =	sadd.s32 $0x200, s31;
	v2 =	vld.idx.msk [tilespmem:v8+s3+$0x0], $0xffff;
	[tilespmem:s25+$0x70] =	vst v10;
	s25 =	smov.u32 s29;
	s29 =	smov.u32 s28  }
0x26c: {  	[tilespmem:s28+$0xFFFFFF30] =	vst v6  }
0x26d: {  	v6 =	vld [tilespmem:s26+$0xFFFFFF40];
	_ =	sdelay $0x4  }
0x26e: {  	v5 =	vld.idx.msk [tilespmem:v5+s3+$0x0], $0xffff  }
0x26f: {  	v3 =	vld.idx.msk [tilespmem:v3+s3+$0x0], $0xffff  }
0x270: {  	v4 =	vld.idx.msk [tilespmem:v4+s3+$0x0], $0xffff  }
0x271: {  	v6 =	vld.idx.msk [tilespmem:v6+s3+$0x0], $0xffff;
	_ =	sdelay $0x1  }
0x272: {  	[tilespmem:s28+$0xC0] =	vst v5  }
0x273: {  	v5 =	vld [tilespmem:s26+$0xD0];
	[tilespmem:s28+$0xFFFFFFC0] =	vst v3  }
0x274: {  	[tilespmem:s29+$0x40] =	vst v4;
	v4 =	vld [tilespmem:s26+$0xFFFFFFD0]  }
0x275: {  	[tilespmem:s29+$0xFFFFFF40] =	vst v6;
	v6 =	vld [tilespmem:s26+$0x50]  }
0x276: {  	v3 =	vld [tilespmem:s26+$0xFFFFFF50];
	_ =	sdelay $0x4  }
0x277: {  	v5 =	vld.idx.msk [tilespmem:v5+s3+$0x0], $0xffff  }
0x278: {  	v4 =	vld.idx.msk [tilespmem:v4+s3+$0x0], $0xffff  }
0x279: {  	v6 =	vld.idx.msk [tilespmem:v6+s3+$0x0], $0xffff  }
0x27a: {  	v3 =	vld.idx.msk [tilespmem:v3+s3+$0x0], $0xffff;
	_ =	sdelay $0x1  }
0x27b: {  	[tilespmem:s29+$0xD0] =	vst v5  }
0x27c: {  	v5 =	vld [tilespmem:s26+$0xE0];
	[tilespmem:s29+$0xFFFFFFD0] =	vst v4  }
0x27d: {  	v4 =	vld [tilespmem:s26+$0xFFFFFFE0];
	[tilespmem:s29+$0x50] =	vst v6  }
0x27e: {  	[tilespmem:s29+$0xFFFFFF50] =	vst v3;
	v6 =	vld [tilespmem:s26+$0x60]  }
0x27f: {  	v3 =	vld [tilespmem:s26+$0xFFFFFF60];
	_ =	sdelay $0x4  }
0x280: {  	v5 =	vld.idx.msk [tilespmem:v5+s3+$0x0], $0xffff  }
0x281: {  	v4 =	vld.idx.msk [tilespmem:v4+s3+$0x0], $0xffff  }
0x282: {  	v6 =	vld.idx.msk [tilespmem:v6+s3+$0x0], $0xffff  }
0x283: {  	v3 =	vld.idx.msk [tilespmem:v3+s3+$0x0], $0xffff;
	_ =	sdelay $0x1  }
0x284: {  	[tilespmem:s29+$0xE0] =	vst v5  }
0x285: {  	v5 =	vld [tilespmem:s26+$0xF0];
	[tilespmem:s29+$0xFFFFFFE0] =	vst v4  }
0x286: {  	v4 =	vld [tilespmem:s26+$0xFFFFFFF0];
	[tilespmem:s29+$0x60] =	vst v6  }
0x287: {  	[tilespmem:s29+$0xFFFFFF60] =	vst v3;
	v6 =	vld [tilespmem:s26+$0x70]  }
0x288: {  	v3 =	vld [tilespmem:s26+$0xFFFFFF70];
	_ =	sdelay $0x3  }
0x289: {  	v0 =	vld.idx.msk [tilespmem:v0+s3+$0x0], $0xffff  }
0x28a: {  	v5 =	vld.idx.msk [tilespmem:v5+s3+$0x0], $0xffff  }
0x28b: {  	[tilespmem:s25+$0xFFFFFF70] =	vst v1;
	v1 =	vld.idx.msk [tilespmem:v4+s3+$0x0], $0xffff  }
0x28c: {  	[tilespmem:s25+$0xFFFFFFF0] =	vst v2;
	v2 =	vld.idx.msk [tilespmem:v6+s3+$0x0], $0xffff  }
0x28d: {  	v3 =	vld.idx.msk [tilespmem:v3+s3+$0x0], $0xffff  }
0x28e: {  	[tilespmem:s25+$0x70] =	vst v0  }
0x28f: {  	[tilespmem:s29+$0xF0] =	vst v5  }
0x290: {  	[tilespmem:s29+$0xFFFFFFF0] =	vst v1  }
0x291: {  	[tilespmem:s29+$0x70] =	vst v2  }
0x292: {  	[tilespmem:s29+$0xFFFFFF70] =	vst v3  }
0x293: {  	[hbm4b:s10+s14] =	stream.strided.scatter [tilespmem:s19], [sflag:$0x3], $0x4000, s15, s14, $0x38;
	[tilespmem:$0x10080] =	vst v63  }
0x294: {  	_ =	swait.ge [sflag:s20], $0x4000  }
0x295: {  	[sflag:s20] =	ssyncset.done $0x0  }
0x296: {  	[sflag:s20] =	ssyncadd.s32 $0xFFFFC000  }
0x297: {  	_ =	swait.ge [sflag:s23], $0x4000  }
0x298: {  	[sflag:s23] =	ssyncset.done $0x0  }
0x299: {  	s29 =	simm.s32 $0x4180;
	[sflag:s23] =	ssyncadd.s32 $0xFFFFC000  }
0x29a: {  	v0 =	vld [tilespmem:s29+$0x80]  }
0x29b: {  	v1 =	vld [tilespmem:s29+$0xFFFFFF80]  }
0x29c: {  	v2 =	vld [tilespmem:s29+$0x0];
	_ =	sdelay $0x2  }
0x29d: {  	v3 =	vld [tilespmem:s29+$0xFFFFFF00];
	_ =	sdelay $0x2  }
0x29e: {  	v0 =	vld.idx.msk [tilespmem:v0+s3+$0x0], $0xffff  }
0x29f: {  	v1 =	vld.idx.msk [tilespmem:v1+s3+$0x0], $0xffff  }
0x2a0: {  	v2 =	vld.idx.msk [tilespmem:v2+s3+$0x0], $0xffff;
	_ =	sdelay $0x1  }
0x2a1: {  	s25 =	simm.s32 $0xC180  }
0x2a2: {  	v3 =	vld.idx.msk [tilespmem:v3+s3+$0x0], $0xffff;
	[tilespmem:s25+$0x80] =	vst v0  }
0x2a3: {  	[tilespmem:s25+$0xFFFFFF80] =	vst v1;
	v0 =	vld [tilespmem:s29+$0x90]  }
0x2a4: {  	[tilespmem:s25+$0x0] =	vst v2;
	v1 =	vld [tilespmem:s29+$0xFFFFFF90]  }
0x2a5: {  	v2 =	vld [tilespmem:s29+$0x10];
	_ =	sdelay $0x1  }
0x2a6: {  	[tilespmem:s25+$0xFFFFFF00] =	vst v3  }
0x2a7: {  	v3 =	vld [tilespmem:s29+$0xFFFFFF10];
	_ =	sdelay $0x2  }
0x2a8: {  	v0 =	vld.idx.msk [tilespmem:v0+s3+$0x0], $0xffff  }
0x2a9: {  	v1 =	vld.idx.msk [tilespmem:v1+s3+$0x0], $0xffff  }
0x2aa: {  	v2 =	vld.idx.msk [tilespmem:v2+s3+$0x0], $0xffff;
	_ =	sdelay $0x2  }
0x2ab: {  	v3 =	vld.idx.msk [tilespmem:v3+s3+$0x0], $0xffff;
	[tilespmem:s25+$0x90] =	vst v0  }
0x2ac: {  	[tilespmem:s25+$0xFFFFFF90] =	vst v1;
	v0 =	vld [tilespmem:s29+$0xA0]  }
0x2ad: {  	[tilespmem:s25+$0x10] =	vst v2;
	v1 =	vld [tilespmem:s29+$0xFFFFFFA0]  }
0x2ae: {  	v2 =	vld [tilespmem:s29+$0x20];
	_ =	sdelay $0x1  }
0x2af: {  	[tilespmem:s25+$0xFFFFFF10] =	vst v3  }
0x2b0: {  	v3 =	vld [tilespmem:s29+$0xFFFFFF20]  }
0x2b1: {  	s26 =	simm.s32 $0x4380  }
0x2b2: {  	v4 =	vld [tilespmem:s26+$0x80]  }
0x2b3: {  	v0 =	vld.idx.msk [tilespmem:v0+s3+$0x0], $0xffff  }
0x2b4: {  	v1 =	vld.idx.msk [tilespmem:v1+s3+$0x0], $0xffff  }
0x2b5: {  	v2 =	vld.idx.msk [tilespmem:v2+s3+$0x0], $0xffff;
	_ =	sdelay $0x1  }
0x2b6: {  	v5 =	vld [tilespmem:s26+$0xFFFFFF80]  }
0x2b7: {  	v3 =	vld.idx.msk [tilespmem:v3+s3+$0x0], $0xffff;
	[tilespmem:s25+$0xA0] =	vst v0  }
0x2b8: {  	[tilespmem:s25+$0xFFFFFFA0] =	vst v1;
	v0 =	vld [tilespmem:s29+$0xB0]  }
0x2b9: {  	[tilespmem:s25+$0x20] =	vst v2;
	v1 =	vld [tilespmem:s29+$0xFFFFFFB0]  }
0x2ba: {  	v2 =	vld [tilespmem:s29+$0x30];
	_ =	sdelay $0x1  }
0x2bb: {  	v4 =	vld.idx.msk [tilespmem:v4+s3+$0x0], $0xffff;
	[tilespmem:s25+$0xFFFFFF20] =	vst v3  }
0x2bc: {  	v3 =	vld [tilespmem:s29+$0xFFFFFF30]  }
0x2bd: {  	v5 =	vld.idx.msk [tilespmem:v5+s3+$0x0], $0xffff  }
0x2be: {  	v6 =	vld [tilespmem:s26+$0x0]  }
0x2bf: {  	v0 =	vld.idx.msk [tilespmem:v0+s3+$0x0], $0xffff  }
0x2c0: {  	s28 =	simm.s32 $0xC380;
	v1 =	vld.idx.msk [tilespmem:v1+s3+$0x0], $0xffff  }
0x2c1: {  	[tilespmem:s28+$0x80] =	vst v4;
	v2 =	vld.idx.msk [tilespmem:v2+s3+$0x0], $0xffff  }
0x2c2: {  	[tilespmem:s28+$0xFFFFFF80] =	vst v5;
	v4 =	vld [tilespmem:s26+$0x90]  }
0x2c3: {  	v5 =	vld [tilespmem:s26+$0xFFFFFF90]  }
0x2c4: {  	v3 =	vld.idx.msk [tilespmem:v3+s3+$0x0], $0xffff;
	[tilespmem:s25+$0xB0] =	vst v0  }
0x2c5: {  	[tilespmem:s25+$0xFFFFFFB0] =	vst v1;
	v0 =	vld [tilespmem:s29+$0xC0]  }
0x2c6: {  	[tilespmem:s25+$0x30] =	vst v2;
	v1 =	vld [tilespmem:s29+$0xFFFFFFC0]  }
0x2c7: {  	v2 =	vld [tilespmem:s29+$0x40]  }
0x2c8: {  	v7 =	vld [tilespmem:s26+$0xFFFFFF00]  }
0x2c9: {  	v6 =	vld.idx.msk [tilespmem:v6+s3+$0x0], $0xffff  }
0x2ca: {  	v4 =	vld.idx.msk [tilespmem:v4+s3+$0x0], $0xffff;
	[tilespmem:s25+$0xFFFFFF30] =	vst v3  }
0x2cb: {  	v3 =	vld [tilespmem:s29+$0xFFFFFF40]  }
0x2cc: {  	v5 =	vld.idx.msk [tilespmem:v5+s3+$0x0], $0xffff  }
0x2cd: {  	v0 =	vld.idx.msk [tilespmem:v0+s3+$0x0], $0xffff  }
0x2ce: {  	v1 =	vld.idx.msk [tilespmem:v1+s3+$0x0], $0xffff  }
0x2cf: {  	[tilespmem:s28+$0x0] =	vst v6;
	v2 =	vld.idx.msk [tilespmem:v2+s3+$0x0], $0xffff  }
0x2d0: {  	[tilespmem:s28+$0x90] =	vst v4  }
0x2d1: {  	v7 =	vld.idx.msk [tilespmem:v7+s3+$0x0], $0xffff;
	[tilespmem:s28+$0xFFFFFF90] =	vst v5  }
0x2d2: {  	v5 =	vld [tilespmem:s26+$0xA0];
	[tilespmem:s25+$0xC0] =	vst v0  }
0x2d3: {  	[tilespmem:s25+$0xFFFFFFC0] =	vst v1;
	v1 =	vld.idx.msk [tilespmem:v3+s3+$0x0], $0xffff  }
0x2d4: {  	[tilespmem:s25+$0x40] =	vst v2;
	v2 =	vld [tilespmem:s26+$0x10]  }
0x2d5: {  	v0 =	vld [tilespmem:s29+$0xD0]  }
0x2d6: {  	v3 =	vld [tilespmem:s29+$0xFFFFFFD0]  }
0x2d7: {  	[tilespmem:s28+$0xFFFFFF00] =	vst v7;
	v6 =	vld [tilespmem:s29+$0x50]  }
0x2d8: {  	[tilespmem:s25+$0xFFFFFF40] =	vst v1;
	v1 =	vld [tilespmem:s26+$0xFFFFFF10]  }
0x2d9: {  	v7 =	vld [tilespmem:s29+$0xFFFFFF50];
	_ =	sdelay $0x1  }
0x2da: {  	v5 =	vld.idx.msk [tilespmem:v5+s3+$0x0], $0xffff  }
0x2db: {  	v2 =	vld.idx.msk [tilespmem:v2+s3+$0x0], $0xffff  }
0x2dc: {  	v0 =	vld.idx.msk [tilespmem:v0+s3+$0x0], $0xffff  }
0x2dd: {  	v3 =	vld.idx.msk [tilespmem:v3+s3+$0x0], $0xffff  }
0x2de: {  	v6 =	vld.idx.msk [tilespmem:v6+s3+$0x0], $0xffff  }
0x2df: {  	v1 =	vld.idx.msk [tilespmem:v1+s3+$0x0], $0xffff  }
0x2e0: {  	v4 =	vld.idx.msk [tilespmem:v7+s3+$0x0], $0xffff  }
0x2e1: {  	[tilespmem:s28+$0x10] =	vst v2;
	v7 =	vld [tilespmem:s26+$0xFFFFFFA0]  }
0x2e2: {  	[tilespmem:s25+$0xD0] =	vst v0;
	v2 =	vld [tilespmem:s26+$0x20]  }
0x2e3: {  	[tilespmem:s25+$0xFFFFFFD0] =	vst v3;
	v0 =	vld [tilespmem:s29+$0xE0]  }
0x2e4: {  	v3 =	vld [tilespmem:s29+$0xFFFFFFE0];
	[tilespmem:s28+$0xFFFFFF10] =	vst v1  }
0x2e5: {  	v1 =	vld [tilespmem:s26+$0xFFFFFF20];
	[tilespmem:s25+$0xFFFFFF50] =	vst v4  }
0x2e6: {  	[tilespmem:s28+$0xA0] =	vst v5;
	v4 =	vld [tilespmem:s29+$0xFFFFFF60]  }
0x2e7: {  	v5 =	vld [tilespmem:s26+$0xB0];
	[tilespmem:s25+$0x50] =	vst v6  }
0x2e8: {  	v6 =	vld [tilespmem:s29+$0x60]  }
0x2e9: {  	v7 =	vld.idx.msk [tilespmem:v7+s3+$0x0], $0xffff  }
0x2ea: {  	v2 =	vld.idx.msk [tilespmem:v2+s3+$0x0], $0xffff  }
0x2eb: {  	v0 =	vld.idx.msk [tilespmem:v0+s3+$0x0], $0xffff  }
0x2ec: {  	v3 =	vld.idx.msk [tilespmem:v3+s3+$0x0], $0xffff  }
0x2ed: {  	v1 =	vld.idx.msk [tilespmem:v1+s3+$0x0], $0xffff  }
0x2ee: {  	[tilespmem:s28+$0xFFFFFFA0] =	vst v7;
	v4 =	vld.idx.msk [tilespmem:v4+s3+$0x0], $0xffff  }
0x2ef: {  	[tilespmem:s28+$0x20] =	vst v2;
	v7 =	vld [tilespmem:s26+$0xFFFFFFB0]  }
0x2f0: {  	[tilespmem:s25+$0xE0] =	vst v0;
	v2 =	vld [tilespmem:s26+$0x30]  }
0x2f1: {  	v0 =	vld [tilespmem:s29+$0xF0]  }
0x2f2: {  	v6 =	vld.idx.msk [tilespmem:v6+s3+$0x0], $0xffff;
	[tilespmem:s28+$0xFFFFFF20] =	vst v1  }
0x2f3: {  	[tilespmem:s25+$0xFFFFFFE0] =	vst v3;
	v1 =	vld [tilespmem:s26+$0xFFFFFF30]  }
0x2f4: {  	v3 =	vld.idx.msk [tilespmem:v5+s3+$0x0], $0xffff;
	[tilespmem:s25+$0xFFFFFF60] =	vst v4  }
0x2f5: {  	v4 =	vld [tilespmem:s29+$0xFFFFFF70]  }
0x2f6: {  	v9 =	vld [tilespmem:s29+$0xFFFFFFF0]  }
0x2f7: {  	v5 =	vld.idx.msk [tilespmem:v7+s3+$0x0], $0xffff  }
0x2f8: {  	v2 =	vld.idx.msk [tilespmem:v2+s3+$0x0], $0xffff  }
0x2f9: {  	[tilespmem:s25+$0x60] =	vst v6;
	v8 =	vld.idx.msk [tilespmem:v0+s3+$0x0], $0xffff  }
0x2fa: {  	v0 =	vld [tilespmem:s29+$0x70]  }
0x2fb: {  	[tilespmem:s28+$0xB0] =	vst v3;
	v6 =	vld.idx.msk [tilespmem:v1+s3+$0x0], $0xffff  }
0x2fc: {  	[tilespmem:s28+$0xFFFFFFB0] =	vst v5;
	v5 =	vld [tilespmem:s26+$0xC0]  }
0x2fd: {  	v1 =	vld.idx.msk [tilespmem:v4+s3+$0x0], $0xffff  }
0x2fe: {  	[tilespmem:s28+$0x30] =	vst v2;
	v2 =	vld.idx.msk [tilespmem:v9+s3+$0x0], $0xffff  }
0x2ff: {  	v3 =	vld [tilespmem:s26+$0xFFFFFFC0]  }
0x300: {  	s30 =	simm.s32 $0x4;
	s31 =	simm.s32 $0x4580;
	s29 =	simm.s32 $0xC380;
	v4 =	vld [tilespmem:s26+$0x40];
	[tilespmem:s25+$0xF0] =	vst v8  }
.LBB2_8:
0x301: {  	v7 =	vld [tilespmem:s31+$0x80];
	s30 =	sadd.s32 $0x4, s30;
	[tilespmem:s28+$0xFFFFFF30] =	vst v6  }
0x302: {  	v6 =	vld [tilespmem:s31+$0xFFFFFF80];
	p0 =	slt.u32 s30, $0x7C;
	[tilespmem:s25+$0xFFFFFF70] =	vst v1  }
0x303: {  	v1 =	vld [tilespmem:s31+$0x0]  }
0x304: {  	v8 =	vld [tilespmem:s31+$0xFFFFFF00]  }
0x305: {  	v5 =	vld.idx.msk [tilespmem:v5+s3+$0x0], $0xffff  }
0x306: {  	v9 =	vld [tilespmem:s26+$0xFFFFFF40];
	[tilespmem:s25+$0xFFFFFFF0] =	vst v2  }
0x307: {  	v2 =	vld.idx.msk [tilespmem:v3+s3+$0x0], $0xffff  }
0x308: {  	v3 =	vld.idx.msk [tilespmem:v4+s3+$0x0], $0xffff  }
0x309: {  	v4 =	vld.idx.msk [tilespmem:v7+s3+$0x0], $0xffff  }
0x30a: {  	v6 =	vld.idx.msk [tilespmem:v6+s3+$0x0], $0xffff  }
0x30b: {  	v1 =	vld.idx.msk [tilespmem:v1+s3+$0x0], $0xffff;
	[tilespmem:s28+$0xC0] =	vst v5  }
0x30c: {  	v5 =	vld [tilespmem:s26+$0xD0]  }
0x30d: {  	v7 =	vld.idx.msk [tilespmem:v8+s3+$0x0], $0xffff;
	[tilespmem:s28+$0xFFFFFFC0] =	vst v2  }
0x30e: {  	s28 =	sadd.s32 $0x200, s28;
	v2 =	vld.idx.msk [tilespmem:v9+s3+$0x0], $0xffff;
	[tilespmem:s29+$0x40] =	vst v3  }
0x30f: {  	[tilespmem:s28+$0x80] =	vst v4;
	v3 =	vld [tilespmem:s26+$0xFFFFFFD0]  }
0x310: {  	[tilespmem:s28+$0xFFFFFF80] =	vst v6;
	v4 =	vld [tilespmem:s31+$0x90]  }
0x311: {  	v6 =	vld [tilespmem:s31+$0xFFFFFF90];
	[tilespmem:s28+$0x0] =	vst v1  }
0x312: {  	v1 =	vld [tilespmem:s31+$0x10]  }
0x313: {  	[tilespmem:s28+$0xFFFFFF00] =	vst v7;
	v7 =	vld [tilespmem:s26+$0x50]  }
0x314: {  	[tilespmem:s29+$0xFFFFFF40] =	vst v2;
	v2 =	vld.idx.msk [tilespmem:v5+s3+$0x0], $0xffff  }
0x315: {  	v5 =	vld [tilespmem:s31+$0xFFFFFF10]  }
0x316: {  	v8 =	vld [tilespmem:s26+$0xFFFFFF50]  }
0x317: {  	v3 =	vld.idx.msk [tilespmem:v3+s3+$0x0], $0xffff  }
0x318: {  	v4 =	vld.idx.msk [tilespmem:v4+s3+$0x0], $0xffff  }
0x319: {  	v6 =	vld.idx.msk [tilespmem:v6+s3+$0x0], $0xffff  }
0x31a: {  	v1 =	vld.idx.msk [tilespmem:v1+s3+$0x0], $0xffff;
	[tilespmem:s29+$0xD0] =	vst v2  }
0x31b: {  	v2 =	vld [tilespmem:s26+$0xE0]  }
0x31c: {  	v7 =	vld.idx.msk [tilespmem:v7+s3+$0x0], $0xffff  }
0x31d: {  	v5 =	vld.idx.msk [tilespmem:v5+s3+$0x0], $0xffff;
	[tilespmem:s29+$0xFFFFFFD0] =	vst v3  }
0x31e: {  	[tilespmem:s28+$0x90] =	vst v4;
	v3 =	vld.idx.msk [tilespmem:v8+s3+$0x0], $0xffff  }
0x31f: {  	[tilespmem:s28+$0xFFFFFF90] =	vst v6;
	v4 =	vld [tilespmem:s31+$0xA0]  }
0x320: {  	v6 =	vld [tilespmem:s31+$0xFFFFFFA0];
	[tilespmem:s28+$0x10] =	vst v1  }
0x321: {  	v1 =	vld [tilespmem:s31+$0x20]  }
0x322: {  	v8 =	vld [tilespmem:s26+$0xFFFFFFE0];
	[tilespmem:s29+$0x50] =	vst v7  }
0x323: {  	[tilespmem:s28+$0xFFFFFF10] =	vst v5;
	v2 =	vld.idx.msk [tilespmem:v2+s3+$0x0], $0xffff  }
0x324: {  	v5 =	vld [tilespmem:s31+$0xFFFFFF20];
	[tilespmem:s29+$0xFFFFFF50] =	vst v3  }
0x325: {  	v3 =	vld [tilespmem:s26+$0xFFFFFF60]  }
0x326: {  	v7 =	vld [tilespmem:s26+$0x60]  }
0x327: {  	v4 =	vld.idx.msk [tilespmem:v4+s3+$0x0], $0xffff  }
0x328: {  	v6 =	vld.idx.msk [tilespmem:v6+s3+$0x0], $0xffff  }
0x329: {  	v1 =	vld.idx.msk [tilespmem:v1+s3+$0x0], $0xffff;
	[tilespmem:s29+$0xE0] =	vst v2  }
0x32a: {  	v2 =	vld [tilespmem:s26+$0xF0]  }
0x32b: {  	v8 =	vld.idx.msk [tilespmem:v8+s3+$0x0], $0xffff  }
0x32c: {  	v5 =	vld.idx.msk [tilespmem:v5+s3+$0x0], $0xffff  }
0x32d: {  	[tilespmem:s28+$0xA0] =	vst v4;
	v3 =	vld.idx.msk [tilespmem:v3+s3+$0x0], $0xffff  }
0x32e: {  	[tilespmem:s28+$0xFFFFFFA0] =	vst v6;
	v4 =	vld [tilespmem:s31+$0xB0]  }
0x32f: {  	v6 =	vld [tilespmem:s31+$0xFFFFFFB0];
	[tilespmem:s28+$0x20] =	vst v1  }
0x330: {  	v1 =	vld [tilespmem:s31+$0x30]  }
0x331: {  	[tilespmem:s29+$0xFFFFFFE0] =	vst v8;
	v7 =	vld.idx.msk [tilespmem:v7+s3+$0x0], $0xffff  }
0x332: {  	[tilespmem:s28+$0xFFFFFF20] =	vst v5;
	v2 =	vld.idx.msk [tilespmem:v2+s3+$0x0], $0xffff  }
0x333: {  	v5 =	vld [tilespmem:s31+$0xFFFFFF30];
	[tilespmem:s29+$0xFFFFFF60] =	vst v3  }
0x334: {  	v3 =	vld [tilespmem:s26+$0xFFFFFF70]  }
0x335: {  	v8 =	vld [tilespmem:s26+$0xFFFFFFF0]  }
0x336: {  	v4 =	vld.idx.msk [tilespmem:v4+s3+$0x0], $0xffff  }
0x337: {  	v9 =	vld.idx.msk [tilespmem:v6+s3+$0x0], $0xffff;
	[tilespmem:s29+$0x60] =	vst v7  }
0x338: {  	v7 =	vld.idx.msk [tilespmem:v1+s3+$0x0], $0xffff;
	[tilespmem:s29+$0xF0] =	vst v2  }
0x339: {  	v2 =	vld [tilespmem:s26+$0x70];
	s26 =	smov.u32 s31  }
0x33a: {  	v10 =	vld.idx.msk [tilespmem:v0+s3+$0x0], $0xffff  }
0x33b: {  	v6 =	vld.idx.msk [tilespmem:v5+s3+$0x0], $0xffff  }
.Ltmp3:
0x33c: {  	[tilespmem:s28+$0xB0] =	vst v4;
	v1 =	vld.idx.msk [tilespmem:v3+s3+$0x0], $0xffff;
	(pc) =	sbr.rel @p0 .LBB2_8-.Ltmp3, $4  }
0x33d: {  	[tilespmem:s28+$0xFFFFFFB0] =	vst v9;
	v5 =	vld [tilespmem:s31+$0xC0]  }
0x33e: {  	v3 =	vld [tilespmem:s31+$0xFFFFFFC0];
	[tilespmem:s28+$0x30] =	vst v7;
	v0 =	vmov v2  }
0x33f: {  	v4 =	vld [tilespmem:s31+$0x40]  }
0x340: {  	s31 =	sadd.s32 $0x200, s31;
	v2 =	vld.idx.msk [tilespmem:v8+s3+$0x0], $0xffff;
	[tilespmem:s25+$0x70] =	vst v10;
	s25 =	smov.u32 s29;
	s29 =	smov.u32 s28  }
0x341: {  	[tilespmem:s28+$0xFFFFFF30] =	vst v6  }
0x342: {  	v6 =	vld [tilespmem:s26+$0xFFFFFF40];
	_ =	sdelay $0x4  }
0x343: {  	v5 =	vld.idx.msk [tilespmem:v5+s3+$0x0], $0xffff  }
0x344: {  	v3 =	vld.idx.msk [tilespmem:v3+s3+$0x0], $0xffff  }
0x345: {  	v4 =	vld.idx.msk [tilespmem:v4+s3+$0x0], $0xffff  }
0x346: {  	v6 =	vld.idx.msk [tilespmem:v6+s3+$0x0], $0xffff;
	_ =	sdelay $0x1  }
0x347: {  	[tilespmem:s28+$0xC0] =	vst v5  }
0x348: {  	v5 =	vld [tilespmem:s26+$0xD0];
	[tilespmem:s28+$0xFFFFFFC0] =	vst v3  }
0x349: {  	[tilespmem:s29+$0x40] =	vst v4;
	v60 =	vld [tilespmem:s26+$0xFFFFFFD0]  }
0x34a: {  	v61 =	vld [tilespmem:s26+$0x50];
	[tilespmem:s29+$0xFFFFFF40] =	vst v6  }
0x34b: {  	v59 =	vld [tilespmem:s26+$0xFFFFFF50];
	_ =	sdelay $0x4  }
0x34c: {  	v5 =	vld.idx.msk [tilespmem:v5+s3+$0x0], $0xffff  }
0x34d: {  	v4 =	vld.idx.msk [tilespmem:v60+s3+$0x0], $0xffff  }
0x34e: {  	v6 =	vld.idx.msk [tilespmem:v61+s3+$0x0], $0xffff  }
0x34f: {  	v3 =	vld.idx.msk [tilespmem:v59+s3+$0x0], $0xffff;
	_ =	sdelay $0x1  }
0x350: {  	[tilespmem:s29+$0xD0] =	vst v5  }
0x351: {  	v5 =	vld [tilespmem:s26+$0xE0];
	[tilespmem:s29+$0xFFFFFFD0] =	vst v4  }
0x352: {  	v4 =	vld [tilespmem:s26+$0xFFFFFFE0];
	[tilespmem:s29+$0x50] =	vst v6  }
0x353: {  	v6 =	vld [tilespmem:s26+$0x60];
	[tilespmem:s29+$0xFFFFFF50] =	vst v3  }
0x354: {  	v3 =	vld [tilespmem:s26+$0xFFFFFF60];
	_ =	sdelay $0x4  }
0x355: {  	v5 =	vld.idx.msk [tilespmem:v5+s3+$0x0], $0xffff  }
0x356: {  	v4 =	vld.idx.msk [tilespmem:v4+s3+$0x0], $0xffff  }
0x357: {  	v6 =	vld.idx.msk [tilespmem:v6+s3+$0x0], $0xffff  }
0x358: {  	v3 =	vld.idx.msk [tilespmem:v3+s3+$0x0], $0xffff;
	_ =	sdelay $0x1  }
0x359: {  	[tilespmem:s29+$0xE0] =	vst v5  }
0x35a: {  	v5 =	vld [tilespmem:s26+$0xF0];
	[tilespmem:s29+$0xFFFFFFE0] =	vst v4  }
0x35b: {  	v4 =	vld [tilespmem:s26+$0xFFFFFFF0];
	[tilespmem:s29+$0x60] =	vst v6  }
0x35c: {  	v6 =	vld [tilespmem:s26+$0x70];
	[tilespmem:s29+$0xFFFFFF60] =	vst v3  }
0x35d: {  	v3 =	vld [tilespmem:s26+$0xFFFFFF70];
	_ =	sdelay $0x3  }
0x35e: {  	v0 =	vld.idx.msk [tilespmem:v0+s3+$0x0], $0xffff  }
0x35f: {  	v5 =	vld.idx.msk [tilespmem:v5+s3+$0x0], $0xffff  }
0x360: {  	v62 =	vld.idx.msk [tilespmem:v4+s3+$0x0], $0xffff  }
0x361: {  	[tilespmem:s25+$0xFFFFFF70] =	vst v1;
	v63 =	vld.idx.msk [tilespmem:v6+s3+$0x0], $0xffff  }
0x362: {  	[tilespmem:s25+$0xFFFFFFF0] =	vst v2;
	v3 =	vld.idx.msk [tilespmem:v3+s3+$0x0], $0xffff  }
0x363: {  	[tilespmem:s25+$0x70] =	vst v0  }
0x364: {  	[tilespmem:s29+$0xF0] =	vst v5  }
0x365: {  	[tilespmem:s29+$0xFFFFFFF0] =	vst v62  }
0x366: {  	[tilespmem:s29+$0x70] =	vst v63  }
0x367: {  	s24 =	sadd.s32 $0x1, s24;
	[tilespmem:s29+$0xFFFFFF70] =	vst v3  }
0x368: {  	[hbm4b:s11+s14] =	stream.strided.scatter [tilespmem:s21], [sflag:$0x4], $0x4000, s15, s14, $0x38;
	[tilespmem:$0x10080] =	vst v63  }
0x369: {  	p0 =	sne.s32 s24, s12;
	_ =	swait.ge [sflag:s22], $0x4000  }
.Ltmp4:
0x36a: {  	[sflag:s22] =	ssyncset.done $0x0;
	(pc) =	sbr.rel @p0 .LBB2_1-.Ltmp4, $4  }
0x36b: {  	[sflag:s22] =	ssyncadd.s32 $0xFFFFC000  }
0x36c: {  	_ =	swait.ge [sflag:s23], $0x4000  }
0x36d: {  	[sflag:s23] =	ssyncset.done $0x0  }
0x36e: {  	[sflag:s23] =	ssyncadd.s32 $0xFFFFC000  }
0x36f: {  	_ =	sfence.sel $0x180000  }
0x370: {  	[bflag:$0x0] =	sbarrier.arrive $0xFFFF  }
0x371: {  	p0 =	sne.s32 s2, $0x0;
	_ =	strace $0x90000047  }
0x372: {  	s0 =	sadd.s32 @!p0 $0x100000, s0;
	[bflag:$0x2] =	sbarrier.arrive $0xFFFF  }
0x373: {  	[sflag:s0] =	ssyncadd.tile.s32 @!p0 $0x1;
	_ =	shalt  }
.Lfunc_end2:
_tile_overlayer_lowered:
.L_overlay_start_2:
0x374: {  	(tag) =	ssettag $0x2  }
0x375: {  	s0 =	rddreg [dreg:$0x0];
	s2 =	stileid.u32  }
0x376: {  	s1 =	rddreg [dreg:$0x1];
	p0 =	sne.s32 s2, $0x0  }
0x377: {  	s3 =	rddreg [dreg:$0x2];
	[bflag:$0x3] =	sbarrier.arrive $0xFFFF;
	s2 =	simm.s32 @!p0 $0x1C05  }
0x378: {  	[timem:s3], [sflag:s2] =	dma.local @!p0 [hbm:s0], s1  }
0x379: {  	s0 =	simm.s32 @!p0 $0x5  }
0x37a: {  	_ =	swait.ge @!p0 [sflag:s0], s1  }
0x37b: {  	s1 =	ssub.s32 @!p0 $0x0, s1;
	[sflag:s0] =	ssyncset.done @!p0 $0x0  }
0x37c: {  	[sflag:s0] =	ssyncadd.s32 @!p0 s1  }
0x37d: {  	[bflag:$0x3] =	sbarrier.arrive $0xFFFF  }
0x37e: {  	_ =	shalt  }

</sc_bundles>
